<compile_context>
chip_gen: v7x
topology: tpu7x:2x2x1
jax: 0.10.2.dev20260603
libtpu: 0.0.44.dev20260713+nightly
codegen_flags: <defaults>
</compile_context>

<pallas_src>
import functools

import jax
import jax.numpy as jnp
from jax import lax
from jax.experimental import pallas as pl
from jax.experimental.pallas import tpu as pltpu
from jax.experimental.pallas import tpu_sc as plsc

NC = 2
NS = 16
NT = NC * NS
CG = 4
IB = 128
NSUB = 10
CB = IB * NSUB
G = 64


def _sc_mesh():
    return plsc.VectorSubcoreMesh(
        core_axis_name="c", subcore_axis_name="s", num_cores=NC, num_subcores=NS
    )


def _deg_call(col, n_pad):
    e = col.shape[0]
    epw = e // NT
    dcb = 10000
    nch = epw // dcb
    nv = n_pad // 16

    @functools.partial(
        pl.kernel,
        out_type=jax.ShapeDtypeStruct((NT, n_pad), jnp.float32),
        mesh=_sc_mesh(),
        compiler_params=pltpu.CompilerParams(needs_layout_passes=False),
        scratch_types=[
            pltpu.VMEM((dcb,), jnp.int32),
            pltpu.VMEM((n_pad,), jnp.float32),
        ],
    )
    def deg_kernel(col_hbm, out_hbm, colb_v, table_v):
        c = lax.axis_index("c")
        s = lax.axis_index("s")
        wid = s * NC + c

        def zfill(i, _):
            table_v[pl.ds(i * 16, 16)] = jnp.zeros((16,), jnp.float32)
            return 0

        lax.fori_loop(0, nv, zfill, 0)

        ones16 = jnp.full((16,), 1.0, jnp.float32)

        def chunk(k, _):
            base = wid * epw + k * dcb
            pltpu.sync_copy(col_hbm.at[pl.ds(base, dcb)], colb_v)

            @plsc.parallel_loop(0, dcb // 16, unroll=4)
            def grp(j):
                idx = colb_v[pl.ds(j * 16, 16)]
                plsc.addupdate_scatter(table_v, [idx], ones16)

            return 0

        lax.fori_loop(0, nch, chunk, 0)
        pltpu.sync_copy(table_v, out_hbm.at[wid])

    return deg_kernel(col)


def _scatter_call(gf, row, col, n_pad):
    e = row.shape[0]
    scb = 10000
    nch = e // scb
    accn = n_pad * CG

    @functools.partial(
        pl.kernel,
        out_type=jax.ShapeDtypeStruct((NT, accn), jnp.float32),
        mesh=_sc_mesh(),
        compiler_params=pltpu.CompilerParams(needs_layout_passes=False),
        scratch_types=[
            pltpu.VMEM((scb,), jnp.int32),
            pltpu.VMEM((scb,), jnp.int32),
            pltpu.VMEM((accn,), jnp.float32),
            pltpu.VMEM((accn,), jnp.float32),
        ],
    )
    def scatter_kernel(gf_hbm, row_hbm, col_hbm, out_hbm,
                       rowb_v, colb_v, gtab_v, acc_v):
        c = lax.axis_index("c")
        s = lax.axis_index("s")
        wid = s * NC + c

        pltpu.sync_copy(gf_hbm.at[pl.ds(wid * accn, accn)], gtab_v)

        def zfill(i, _):
            acc_v[pl.ds(i * 16, 16)] = jnp.zeros((16,), jnp.float32)
            return 0

        lax.fori_loop(0, accn // 16, zfill, 0)

        def chunk(k, _):
            pltpu.sync_copy(row_hbm.at[pl.ds(k * scb, scb)], rowb_v)
            pltpu.sync_copy(col_hbm.at[pl.ds(k * scb, scb)], colb_v)

            @plsc.parallel_loop(0, scb // 16, unroll=4)
            def grp(j):
                rowv = rowb_v[pl.ds(j * 16, 16)]
                colv = colb_v[pl.ds(j * 16, 16)]
                row4 = rowv * CG
                col4 = colv * CG
                for ch in range(CG):
                    vals = plsc.load_gather(gtab_v, [row4 + ch])
                    plsc.addupdate_scatter(acc_v, [col4 + ch], vals)

            return 0

        lax.fori_loop(0, nch, chunk, 0)
        pltpu.sync_copy(acc_v, out_hbm.at[wid])

    return scatter_kernel(gf, row, col)


_BLK = 512


def _mm1_call(x_p, w1, degp):
    n_pad, d = x_p.shape
    grid = n_pad // _BLK

    def body(x_ref, w_ref, dp_ref, g1_ref, dis_ref):
        ones = jnp.ones((NT, 1), jnp.float32)
        dn = (((0,), (0,)), ((), ()))
        deg = lax.dot_general(
            dp_ref[...], ones, dn, preferred_element_type=jnp.float32
        ) + 1.0
        dis = lax.rsqrt(deg)
        h = jnp.dot(x_ref[...], w_ref[...], preferred_element_type=jnp.float32)
        g1_ref[...] = h * dis
        dis_ref[...] = dis

    return pl.pallas_call(
        body,
        grid=(grid,),
        in_specs=[
            pl.BlockSpec((_BLK, d), lambda i: (i, 0)),
            pl.BlockSpec((d, d), lambda i: (0, 0)),
            pl.BlockSpec((NT, _BLK), lambda i: (0, i)),
        ],
        out_specs=[
            pl.BlockSpec((_BLK, d), lambda i: (i, 0)),
            pl.BlockSpec((_BLK, 1), lambda i: (i, 0)),
        ],
        out_shape=[
            jax.ShapeDtypeStruct((n_pad, d), jnp.float32),
            jax.ShapeDtypeStruct((n_pad, 1), jnp.float32),
        ],
    )(x_p, w1, degp)


def _mm2_call(g1, acc1, dis_col, w2, b1):
    n_pad, d = g1.shape
    grid = n_pad // _BLK

    def body(g1_ref, a_ref, dis_ref, w_ref, b_ref, g2_ref):
        a = g1_ref[...] + a_ref[...]
        t = jnp.maximum(dis_ref[...] * a + b_ref[...], 0.0)
        g2_ref[...] = jnp.dot(
            t, w_ref[...], preferred_element_type=jnp.float32
        ) * dis_ref[...]

    return pl.pallas_call(
        body,
        grid=(grid,),
        in_specs=[
            pl.BlockSpec((_BLK, d), lambda i: (i, 0)),
            pl.BlockSpec((_BLK, d), lambda i: (i, 0)),
            pl.BlockSpec((_BLK, 1), lambda i: (i, 0)),
            pl.BlockSpec((d, d), lambda i: (0, 0)),
            pl.BlockSpec((1, d), lambda i: (0, 0)),
        ],
        out_specs=pl.BlockSpec((_BLK, d), lambda i: (i, 0)),
        out_shape=jax.ShapeDtypeStruct((n_pad, d), jnp.float32),
    )(g1, acc1, dis_col, w2, b1)


def _final_call(g2, acc2, dis_col, batch_col, b2, fcw, fcb):
    n_pad, d = g2.shape
    dout = fcw.shape[1]
    grid = n_pad // _BLK

    def body(g2_ref, a_ref, dis_ref, bt_ref, b_ref, fcw_ref, fcb_ref,
             out_ref, sums_ref, cnt_ref):
        i = pl.program_id(0)

        @pl.when(i == 0)
        def _():
            sums_ref[...] = jnp.zeros_like(sums_ref)
            cnt_ref[...] = jnp.zeros_like(cnt_ref)

        a = g2_ref[...] + a_ref[...]
        r = jnp.maximum(dis_ref[...] * a + b_ref[...], 0.0)
        bt = bt_ref[...]
        p = (bt == lax.broadcasted_iota(jnp.int32, (_BLK, G), 1)).astype(
            jnp.float32
        )
        dn = (((0,), (0,)), ((), ()))
        sums_ref[...] += lax.dot_general(
            p, r, dn, preferred_element_type=jnp.float32
        )
        cnt_ref[...] += lax.dot_general(
            p, jnp.ones((_BLK, 1), jnp.float32), dn,
            preferred_element_type=jnp.float32,
        )

        @pl.when(i == grid - 1)
        def _():
            pooled = sums_ref[...] / jnp.maximum(cnt_ref[...], 1.0)
            out_ref[...] = jnp.dot(
                pooled, fcw_ref[...], preferred_element_type=jnp.float32
            ) + fcb_ref[...]

    return pl.pallas_call(
        body,
        grid=(grid,),
        in_specs=[
            pl.BlockSpec((_BLK, d), lambda i: (i, 0)),
            pl.BlockSpec((_BLK, d), lambda i: (i, 0)),
            pl.BlockSpec((_BLK, 1), lambda i: (i, 0)),
            pl.BlockSpec((_BLK, 1), lambda i: (i, 0)),
            pl.BlockSpec((1, d), lambda i: (0, 0)),
            pl.BlockSpec((d, dout), lambda i: (0, 0)),
            pl.BlockSpec((1, dout), lambda i: (0, 0)),
        ],
        out_specs=pl.BlockSpec((G, dout), lambda i: (0, 0)),
        out_shape=jax.ShapeDtypeStruct((G, dout), jnp.float32),
        scratch_shapes=[
            pltpu.VMEM((G, d), jnp.float32),
            pltpu.VMEM((G, 1), jnp.float32),
        ],
    )(g2, acc2, dis_col, batch_col, b2, fcw, fcb)


def _to_groups(g, n_pad):
    return g.reshape(n_pad, NT, CG).transpose(1, 0, 2).reshape(NT * n_pad * CG)


def _from_groups(acc, n_pad):
    return acc.reshape(NT, n_pad, CG).transpose(1, 0, 2).reshape(n_pad, NT * CG)


def kernel(x, edge_index, batch, W1, b1, W2, b2, fcW, fcb):
    n, d = x.shape
    n_pad = ((n + 2047) // 2048) * 2048

    row = edge_index[0].astype(jnp.int32)
    col = edge_index[1].astype(jnp.int32)
    x_p = jnp.pad(x, ((0, n_pad - n), (0, 0)))
    batch_col = jnp.pad(batch, (0, n_pad - n), constant_values=G).astype(
        jnp.int32
    )[:, None]

    degp = _deg_call(col, n_pad)
    g1, dis_col = _mm1_call(x_p, W1, degp)
    acc1 = _scatter_call(_to_groups(g1, n_pad), row, col, n_pad)
    g2 = _mm2_call(g1, _from_groups(acc1, n_pad), dis_col, W2, b1[None, :])
    acc2 = _scatter_call(_to_groups(g2, n_pad), row, col, n_pad)
    return _final_call(
        g2, _from_groups(acc2, n_pad), dis_col, batch_col, b2[None, :],
        fcW, fcb[None, :],
    )

# --- scband reference (transcript-rebuilt; emitter-appended) ---
"""Pipeline reference for scband-gcn-39204461478219 (READ-ONLY COPY).

The authoritative reference and input builder live on the scoring server;
editing this copy changes nothing except your own understanding.
"""

import jax, jax.numpy as jnp
import numpy as np

N = 10000
E = 320000
D_IN = 128
D_HID = 128
D_OUT = 64
N_GRAPHS = 64


def setup_inputs(seed: int = 0):
    key = jax.random.key(seed)
    ks = jax.random.split(key, 10)
    x = jax.random.normal(ks[0], (N, D_IN), dtype=jnp.float32)
    edge_index = jax.random.randint(ks[1], (2, E), 0, N)
    batch = jnp.sort(jax.random.randint(ks[2], (N,), 0, N_GRAPHS))
    W1 = jax.random.normal(ks[3], (D_IN, D_HID), dtype=jnp.float32) / np.sqrt(D_IN)
    b1 = jnp.zeros((D_HID,), dtype=jnp.float32)
    W2 = jax.random.normal(ks[4], (D_HID, D_HID), dtype=jnp.float32) / np.sqrt(D_HID)
    b2 = jnp.zeros((D_HID,), dtype=jnp.float32)
    fcW = jax.random.normal(ks[5], (D_HID, D_OUT), dtype=jnp.float32) / np.sqrt(D_HID)
    fcb = jnp.zeros((D_OUT,), dtype=jnp.float32)
    return {"x": x, "edge_index": edge_index, "batch": batch, "W1": W1, "b1": b1, "W2": W2, "b2": b2, "fcW": fcW, "fcb": fcb}


def gcn_conv(x, edge_index, W, b):
    # PyG-style GCNConv: add self-loops, symmetric normalization, scatter-add aggregation
    n = x.shape[0]
    h = x @ W
    loop = jnp.arange(n)
    row = jnp.concatenate([edge_index[0], loop])  # source nodes
    col = jnp.concatenate([edge_index[1], loop])  # destination nodes
    deg = jax.ops.segment_sum(jnp.ones_like(col, dtype=h.dtype), col, num_segments=n)
    dis = jnp.where(deg > 0, jax.lax.rsqrt(deg), 0.0)
    norm = dis[row] * dis[col]
    msg = h[row] * norm[:, None]
    out = jax.ops.segment_sum(msg, col, num_segments=n)
    return out + b


def reference(x, edge_index, batch, W1, b1, W2, b2, fcW, fcb):
    h = jax.nn.relu(gcn_conv(x, edge_index, W1, b1))
    h = jax.nn.relu(gcn_conv(h, edge_index, W2, b2))
    sums = jax.ops.segment_sum(h, batch, num_segments=N_GRAPHS)
    counts = jax.ops.segment_sum(jnp.ones((h.shape[0],), h.dtype), batch, num_segments=N_GRAPHS)
    pooled = sums / jnp.maximum(counts, 1.0)[:, None]
    return pooled @ fcW + fcb

if __name__ == "__main__":
    import jax
    _d = setup_inputs()
    print(jax.jit(kernel)(*tuple(_d.values())))

</pallas_src>

<mosaic_0001>
#map = affine_map<(d0, d1) -> (0)>
#map1 = affine_map<(d0, d1) -> (0, 0)>
module attributes {stable_mosaic.version = 14 : i64} {
  func.func @deg_kernel(%arg0: i32, %arg1: i32, %arg2: memref<320000xi32, #tpu.memory_space<hbm>>, %arg3: memref<32x10240xf32, #tpu.memory_space<hbm>>, %arg4: memref<10000xi32, #tpu.memory_space<vmem>>, %arg5: memref<10240xf32, #tpu.memory_space<vmem>>) attributes {dimension_semantics = [#tpu.dimension_semantics<core_parallel>, #tpu.dimension_semantics<subcore_parallel>], iteration_bounds = array<i64: 2, 16>, scalar_prefetch = 0 : i64, scratch_operands = 2 : i64, tpu.core_type = #tpu.core_type<sc_vector_subcore>, window_params = [{transform_indices = #map}, {transform_indices = #map1}]} {
    %mul3A = arith.constant 2 : i32
    %mul3A_0 = arith.muli %arg1, %mul3A : i32
    %add3A = arith.addi %mul3A_0, %arg0 : i32
    %scan3A = arith.constant 0 : i32
    %scan3A_1 = arith.constant 0 : i32
    %scan3A_2 = arith.constant 640 : i32
    %scan3A_3 = arith.addi %scan3A_1, %scan3A_2 : i32
    %scan3A_4 = arith.constant 1 : i32
    %scan3A_5 = scf.for %scan3A_19 = %scan3A_1 to %scan3A_3 step %scan3A_4 iter_args(%scan3A_20 = %scan3A) -> (i32)  : i32 {
      %broadcast_in_dim3A_21 = arith.constant 0.000000e+00 : f32
      %broadcast_in_dim3A_22 = vector.broadcast %broadcast_in_dim3A_21 : f32 to vector<16xf32>
      %mul3A_23 = arith.constant 16 : i32
      %mul3A_24 = arith.muli %scan3A_19, %mul3A_23 : i32
      %swap3A = arith.index_cast %mul3A_24 : i32 to index
      %swap3A_25 = tpu.vector_load %arg5[%swap3A] {strides = array<i32>} : memref<10240xf32, #tpu.memory_space<vmem>>, vector<16xf32>,
      tpu.vector_store %arg5[%swap3A], %broadcast_in_dim3A_22 {strides = array<i32>} : memref<10240xf32, #tpu.memory_space<vmem>>, vector<16xf32>,
      %scan3A_26 = arith.constant 0 : i32
      scf.yield %scan3A_26 : i32
    }
    %scan3A_6 = arith.constant 640 : i32
    %broadcast_in_dim3A = arith.constant 1.000000e+00 : f32
    %broadcast_in_dim3A_7 = vector.broadcast %broadcast_in_dim3A : f32 to vector<16xf32>
    %scan3A_8 = arith.constant 0 : i32
    %scan3A_9 = arith.constant 0 : i32
    %mul3A_10 = arith.constant 10000 : i32
    %mul3A_11 = arith.muli %add3A, %mul3A_10 : i32
    %mul3A_12 = arith.constant 10000 : i32
    %mul3A_13 = arith.muli %scan3A_9, %mul3A_12 : i32
    %add3A_14 = arith.addi %mul3A_11, %mul3A_13 : i32
    "tpu.region"() ({
      %run_scoped3A = tpu.sem_alloc : memref<!tpu.dma_semaphore, #tpu.memory_space<semaphore_mem>>
      %dma_start3A = tpu.memref_slice %arg2[%add3A_14] : memref<320000xi32, #tpu.memory_space<hbm>> -> memref<10000xi32, #tpu.memory_space<hbm>>
      %dma_start3A_19 = tpu.memref_slice %arg2[%add3A_14] : memref<320000xi32, #tpu.memory_space<hbm>> -> memref<10000xi32, #tpu.memory_space<hbm>>
      tpu.enqueue_dma source(%dma_start3A_19 : memref<10000xi32, #tpu.memory_space<hbm>>) target(%arg4 : memref<10000xi32, #tpu.memory_space<vmem>>) target_semaphore(%run_scoped3A : memref<!tpu.dma_semaphore, #tpu.memory_space<semaphore_mem>>)
      %dma_wait3A = tpu.memref_slice %arg2[%add3A_14] : memref<320000xi32, #tpu.memory_space<hbm>> -> memref<10000xi32, #tpu.memory_space<hbm>>
      %dma_wait3A_20 = tpu.memref_slice %arg2[%add3A_14] : memref<320000xi32, #tpu.memory_space<hbm>> -> memref<10000xi32, #tpu.memory_space<hbm>>
      tpu.wait_dma2 semaphore(%run_scoped3A : memref<!tpu.dma_semaphore, #tpu.memory_space<semaphore_mem>>) src(%dma_wait3A_20 : memref<10000xi32, #tpu.memory_space<hbm>>) dst(%arg4 : memref<10000xi32, #tpu.memory_space<vmem>>)
      tpu.yield
    }) : () -> ()
    %parallel_loop3A = arith.constant 0 : i32
    %parallel_loop3A_15 = arith.constant 625 : i32
    %parallel_loop3A_16 = arith.constant 1 : i32
    scf.for %parallel_loop3A_19 = %parallel_loop3A to %parallel_loop3A_15 step %parallel_loop3A_16  : i32 {
      %parallel_loop3A_20 = arith.constant 16 : i32
      %parallel_loop3A_21 = arith.muli %parallel_loop3A_19, %parallel_loop3A_20 : i32
      %parallel_loop3A_22 = arith.index_cast %parallel_loop3A_21 : i32 to index
      %parallel_loop3A_23 = tpu.vector_load %arg4[%parallel_loop3A_22] {strides = array<i32>} : memref<10000xi32, #tpu.memory_space<vmem>>, vector<16xi32>,
      tpu.vector_store_idx %arg5[%parallel_loop3A_23], %broadcast_in_dim3A_7 {add = true} : memref<10240xf32, #tpu.memory_space<vmem>>[vector<16xi32>], vector<16xf32>,
    } {sc.loop_unroll_factor = 4 : i64, sc.parallel_access}
    %scan3A_17 = arith.constant 0 : i32
    %scan3A_18 = arith.constant 1 : i32
    "tpu.region"() ({
      %run_scoped3A = tpu.sem_alloc : memref<!tpu.dma_semaphore, #tpu.memory_space<semaphore_mem>>
      %dma_start3A = arith.constant 0 : i32
      %dma_start3A_19 = tpu.memref_slice %arg3[%add3A, %dma_start3A] : memref<32x10240xf32, #tpu.memory_space<hbm>> -> memref<1x10240xf32, #tpu.memory_space<hbm>>
      %dma_start3A_20 = tpu.memref_squeeze %dma_start3A_19 : memref<1x10240xf32, #tpu.memory_space<hbm>> -> memref<10240xf32, #tpu.memory_space<hbm>>
      %dma_start3A_21 = arith.constant 0 : i32
      %dma_start3A_22 = tpu.memref_slice %arg3[%add3A, %dma_start3A_21] : memref<32x10240xf32, #tpu.memory_space<hbm>> -> memref<1x10240xf32, #tpu.memory_space<hbm>>
      %dma_start3A_23 = tpu.memref_squeeze %dma_start3A_22 : memref<1x10240xf32, #tpu.memory_space<hbm>> -> memref<10240xf32, #tpu.memory_space<hbm>>
      tpu.enqueue_dma source(%arg5 : memref<10240xf32, #tpu.memory_space<vmem>>) target(%dma_start3A_23 : memref<10240xf32, #tpu.memory_space<hbm>>) target_semaphore(%run_scoped3A : memref<!tpu.dma_semaphore, #tpu.memory_space<semaphore_mem>>)
      %dma_wait3A = arith.constant 0 : i32
      %dma_wait3A_24 = tpu.memref_slice %arg3[%add3A, %dma_wait3A] : memref<32x10240xf32, #tpu.memory_space<hbm>> -> memref<1x10240xf32, #tpu.memory_space<hbm>>
      %dma_wait3A_25 = tpu.memref_squeeze %dma_wait3A_24 : memref<1x10240xf32, #tpu.memory_space<hbm>> -> memref<10240xf32, #tpu.memory_space<hbm>>
      %dma_wait3A_26 = arith.constant 0 : i32
      %dma_wait3A_27 = tpu.memref_slice %arg3[%add3A, %dma_wait3A_26] : memref<32x10240xf32, #tpu.memory_space<hbm>> -> memref<1x10240xf32, #tpu.memory_space<hbm>>
      %dma_wait3A_28 = tpu.memref_squeeze %dma_wait3A_27 : memref<1x10240xf32, #tpu.memory_space<hbm>> -> memref<10240xf32, #tpu.memory_space<hbm>>
      tpu.wait_dma2 semaphore(%run_scoped3A : memref<!tpu.dma_semaphore, #tpu.memory_space<semaphore_mem>>) src(%arg5 : memref<10240xf32, #tpu.memory_space<vmem>>) dst(%dma_wait3A_28 : memref<10240xf32, #tpu.memory_space<hbm>>)
      tpu.yield
    }) : () -> ()
    return
  }
}

#map = affine_map<(d0, d1) -> (0)>
#map1 = affine_map<(d0, d1) -> (0, 0)>
module attributes {stable_mosaic.version = 14 : i64} {
  func.func @scatter_kernel(%arg0: i32, %arg1: i32, %arg2: memref<1310720xf32, #tpu.memory_space<hbm>>, %arg3: memref<320000xi32, #tpu.memory_space<hbm>>, %arg4: memref<320000xi32, #tpu.memory_space<hbm>>, %arg5: memref<32x40960xf32, #tpu.memory_space<hbm>>, %arg6: memref<10000xi32, #tpu.memory_space<vmem>>, %arg7: memref<10000xi32, #tpu.memory_space<vmem>>, %arg8: memref<40960xf32, #tpu.memory_space<vmem>>, %arg9: memref<40960xf32, #tpu.memory_space<vmem>>) attributes {dimension_semantics = [#tpu.dimension_semantics<core_parallel>, #tpu.dimension_semantics<subcore_parallel>], iteration_bounds = array<i64: 2, 16>, scalar_prefetch = 0 : i64, scratch_operands = 4 : i64, tpu.core_type = #tpu.core_type<sc_vector_subcore>, window_params = [{transform_indices = #map}, {transform_indices = #map}, {transform_indices = #map}, {transform_indices = #map1}]} {
    %mul3A = arith.constant 2 : i32
    %mul3A_0 = arith.muli %arg1, %mul3A : i32
    %add3A = arith.addi %mul3A_0, %arg0 : i32
    %mul3A_1 = arith.constant 40960 : i32
    %mul3A_2 = arith.muli %add3A, %mul3A_1 : i32
    "tpu.region"() ({
      %run_scoped3A = tpu.sem_alloc : memref<!tpu.dma_semaphore, #tpu.memory_space<semaphore_mem>>
      %dma_start3A = tpu.memref_slice %arg2[%mul3A_2] : memref<1310720xf32, #tpu.memory_space<hbm>> -> memref<40960xf32, #tpu.memory_space<hbm>>
      %dma_start3A_16 = tpu.memref_slice %arg2[%mul3A_2] : memref<1310720xf32, #tpu.memory_space<hbm>> -> memref<40960xf32, #tpu.memory_space<hbm>>
      tpu.enqueue_dma source(%dma_start3A_16 : memref<40960xf32, #tpu.memory_space<hbm>>) target(%arg8 : memref<40960xf32, #tpu.memory_space<vmem>>) target_semaphore(%run_scoped3A : memref<!tpu.dma_semaphore, #tpu.memory_space<semaphore_mem>>)
      %dma_wait3A = tpu.memref_slice %arg2[%mul3A_2] : memref<1310720xf32, #tpu.memory_space<hbm>> -> memref<40960xf32, #tpu.memory_space<hbm>>
      %dma_wait3A_17 = tpu.memref_slice %arg2[%mul3A_2] : memref<1310720xf32, #tpu.memory_space<hbm>> -> memref<40960xf32, #tpu.memory_space<hbm>>
      tpu.wait_dma2 semaphore(%run_scoped3A : memref<!tpu.dma_semaphore, #tpu.memory_space<semaphore_mem>>) src(%dma_wait3A_17 : memref<40960xf32, #tpu.memory_space<hbm>>) dst(%arg8 : memref<40960xf32, #tpu.memory_space<vmem>>)
      tpu.yield
    }) : () -> ()
    %scan3A = arith.constant 0 : i32
    %scan3A_3 = arith.constant 0 : i32
    %scan3A_4 = arith.constant 2560 : i32
    %scan3A_5 = arith.addi %scan3A_3, %scan3A_4 : i32
    %scan3A_6 = arith.constant 1 : i32
    %scan3A_7 = scf.for %scan3A_16 = %scan3A_3 to %scan3A_5 step %scan3A_6 iter_args(%scan3A_17 = %scan3A) -> (i32)  : i32 {
      %broadcast_in_dim3A = arith.constant 0.000000e+00 : f32
      %broadcast_in_dim3A_18 = vector.broadcast %broadcast_in_dim3A : f32 to vector<16xf32>
      %mul3A_19 = arith.constant 16 : i32
      %mul3A_20 = arith.muli %scan3A_16, %mul3A_19 : i32
      %swap3A = arith.index_cast %mul3A_20 : i32 to index
      %swap3A_21 = tpu.vector_load %arg9[%swap3A] {strides = array<i32>} : memref<40960xf32, #tpu.memory_space<vmem>>, vector<16xf32>,
      tpu.vector_store %arg9[%swap3A], %broadcast_in_dim3A_18 {strides = array<i32>} : memref<40960xf32, #tpu.memory_space<vmem>>, vector<16xf32>,
      %scan3A_22 = arith.constant 0 : i32
      scf.yield %scan3A_22 : i32
    }
    %scan3A_8 = arith.constant 2560 : i32
    %scan3A_9 = arith.constant 0 : i32
    %scan3A_10 = arith.constant 0 : i32
    %scan3A_11 = arith.constant 32 : i32
    %scan3A_12 = arith.addi %scan3A_10, %scan3A_11 : i32
    %scan3A_13 = arith.constant 1 : i32
    %scan3A_14 = scf.for %scan3A_16 = %scan3A_10 to %scan3A_12 step %scan3A_13 iter_args(%scan3A_17 = %scan3A_9) -> (i32)  : i32 {
      %mul3A_18 = arith.constant 10000 : i32
      %mul3A_19 = arith.muli %scan3A_16, %mul3A_18 : i32
      "tpu.region"() ({
        %run_scoped3A = tpu.sem_alloc : memref<!tpu.dma_semaphore, #tpu.memory_space<semaphore_mem>>
        %dma_start3A = tpu.memref_slice %arg3[%mul3A_19] : memref<320000xi32, #tpu.memory_space<hbm>> -> memref<10000xi32, #tpu.memory_space<hbm>>
        %dma_start3A_25 = tpu.memref_slice %arg3[%mul3A_19] : memref<320000xi32, #tpu.memory_space<hbm>> -> memref<10000xi32, #tpu.memory_space<hbm>>
        tpu.enqueue_dma source(%dma_start3A_25 : memref<10000xi32, #tpu.memory_space<hbm>>) target(%arg6 : memref<10000xi32, #tpu.memory_space<vmem>>) target_semaphore(%run_scoped3A : memref<!tpu.dma_semaphore, #tpu.memory_space<semaphore_mem>>)
        %dma_wait3A = tpu.memref_slice %arg3[%mul3A_19] : memref<320000xi32, #tpu.memory_space<hbm>> -> memref<10000xi32, #tpu.memory_space<hbm>>
        %dma_wait3A_26 = tpu.memref_slice %arg3[%mul3A_19] : memref<320000xi32, #tpu.memory_space<hbm>> -> memref<10000xi32, #tpu.memory_space<hbm>>
        tpu.wait_dma2 semaphore(%run_scoped3A : memref<!tpu.dma_semaphore, #tpu.memory_space<semaphore_mem>>) src(%dma_wait3A_26 : memref<10000xi32, #tpu.memory_space<hbm>>) dst(%arg6 : memref<10000xi32, #tpu.memory_space<vmem>>)
        tpu.yield
      }) : () -> ()
      %mul3A_20 = arith.constant 10000 : i32
      %mul3A_21 = arith.muli %scan3A_16, %mul3A_20 : i32
      "tpu.region"() ({
        %run_scoped3A = tpu.sem_alloc : memref<!tpu.dma_semaphore, #tpu.memory_space<semaphore_mem>>
        %dma_start3A = tpu.memref_slice %arg4[%mul3A_21] : memref<320000xi32, #tpu.memory_space<hbm>> -> memref<10000xi32, #tpu.memory_space<hbm>>
        %dma_start3A_25 = tpu.memref_slice %arg4[%mul3A_21] : memref<320000xi32, #tpu.memory_space<hbm>> -> memref<10000xi32, #tpu.memory_space<hbm>>
        tpu.enqueue_dma source(%dma_start3A_25 : memref<10000xi32, #tpu.memory_space<hbm>>) target(%arg7 : memref<10000xi32, #tpu.memory_space<vmem>>) target_semaphore(%run_scoped3A : memref<!tpu.dma_semaphore, #tpu.memory_space<semaphore_mem>>)
        %dma_wait3A = tpu.memref_slice %arg4[%mul3A_21] : memref<320000xi32, #tpu.memory_space<hbm>> -> memref<10000xi32, #tpu.memory_space<hbm>>
        %dma_wait3A_26 = tpu.memref_slice %arg4[%mul3A_21] : memref<320000xi32, #tpu.memory_space<hbm>> -> memref<10000xi32, #tpu.memory_space<hbm>>
        tpu.wait_dma2 semaphore(%run_scoped3A : memref<!tpu.dma_semaphore, #tpu.memory_space<semaphore_mem>>) src(%dma_wait3A_26 : memref<10000xi32, #tpu.memory_space<hbm>>) dst(%arg7 : memref<10000xi32, #tpu.memory_space<vmem>>)
        tpu.yield
      }) : () -> ()
      %parallel_loop3A = arith.constant 0 : i32
      %parallel_loop3A_22 = arith.constant 625 : i32
      %parallel_loop3A_23 = arith.constant 1 : i32
      scf.for %parallel_loop3A_25 = %parallel_loop3A to %parallel_loop3A_22 step %parallel_loop3A_23  : i32 {
        %parallel_loop3A_26 = arith.constant 16 : i32
        %parallel_loop3A_27 = arith.muli %parallel_loop3A_25, %parallel_loop3A_26 : i32
        %parallel_loop3A_28 = arith.index_cast %parallel_loop3A_27 : i32 to index
        %parallel_loop3A_29 = tpu.vector_load %arg6[%parallel_loop3A_28] {strides = array<i32>} : memref<10000xi32, #tpu.memory_space<vmem>>, vector<16xi32>,
        %parallel_loop3A_30 = arith.constant 16 : i32
        %parallel_loop3A_31 = arith.muli %parallel_loop3A_25, %parallel_loop3A_30 : i32
        %parallel_loop3A_32 = arith.index_cast %parallel_loop3A_31 : i32 to index
        %parallel_loop3A_33 = tpu.vector_load %arg7[%parallel_loop3A_32] {strides = array<i32>} : memref<10000xi32, #tpu.memory_space<vmem>>, vector<16xi32>,
        %parallel_loop3A_34 = arith.constant 4 : i32
        %parallel_loop3A_35 = vector.broadcast %parallel_loop3A_34 : i32 to vector<16xi32>
        %parallel_loop3A_36 = arith.muli %parallel_loop3A_29, %parallel_loop3A_35 : vector<16xi32>
        %parallel_loop3A_37 = arith.constant 4 : i32
        %parallel_loop3A_38 = vector.broadcast %parallel_loop3A_37 : i32 to vector<16xi32>
        %parallel_loop3A_39 = arith.muli %parallel_loop3A_33, %parallel_loop3A_38 : vector<16xi32>
        %parallel_loop3A_40 = arith.constant 0 : i32
        %parallel_loop3A_41 = vector.broadcast %parallel_loop3A_40 : i32 to vector<16xi32>
        %parallel_loop3A_42 = arith.addi %parallel_loop3A_36, %parallel_loop3A_41 : vector<16xi32>
        %parallel_loop3A_43 = tpu.vector_load_idx %arg8[%parallel_loop3A_42] : memref<40960xf32, #tpu.memory_space<vmem>>[vector<16xi32>], vector<16xf32>,
        %parallel_loop3A_44 = arith.constant 0 : i32
        %parallel_loop3A_45 = vector.broadcast %parallel_loop3A_44 : i32 to vector<16xi32>
        %parallel_loop3A_46 = arith.addi %parallel_loop3A_39, %parallel_loop3A_45 : vector<16xi32>
        tpu.vector_store_idx %arg9[%parallel_loop3A_46], %parallel_loop3A_43 {add = true} : memref<40960xf32, #tpu.memory_space<vmem>>[vector<16xi32>], vector<16xf32>,
        %parallel_loop3A_47 = arith.constant 1 : i32
        %parallel_loop3A_48 = vector.broadcast %parallel_loop3A_47 : i32 to vector<16xi32>
        %parallel_loop3A_49 = arith.addi %parallel_loop3A_36, %parallel_loop3A_48 : vector<16xi32>
        %parallel_loop3A_50 = tpu.vector_load_idx %arg8[%parallel_loop3A_49] : memref<40960xf32, #tpu.memory_space<vmem>>[vector<16xi32>], vector<16xf32>,
        %parallel_loop3A_51 = arith.constant 1 : i32
        %parallel_loop3A_52 = vector.broadcast %parallel_loop3A_51 : i32 to vector<16xi32>
        %parallel_loop3A_53 = arith.addi %parallel_loop3A_39, %parallel_loop3A_52 : vector<16xi32>
        tpu.vector_store_idx %arg9[%parallel_loop3A_53], %parallel_loop3A_50 {add = true} : memref<40960xf32, #tpu.memory_space<vmem>>[vector<16xi32>], vector<16xf32>,
        %parallel_loop3A_54 = arith.constant 2 : i32
        %parallel_loop3A_55 = vector.broadcast %parallel_loop3A_54 : i32 to vector<16xi32>
        %parallel_loop3A_56 = arith.addi %parallel_loop3A_36, %parallel_loop3A_55 : vector<16xi32>
        %parallel_loop3A_57 = tpu.vector_load_idx %arg8[%parallel_loop3A_56] : memref<40960xf32, #tpu.memory_space<vmem>>[vector<16xi32>], vector<16xf32>,
        %parallel_loop3A_58 = arith.constant 2 : i32
        %parallel_loop3A_59 = vector.broadcast %parallel_loop3A_58 : i32 to vector<16xi32>
        %parallel_loop3A_60 = arith.addi %parallel_loop3A_39, %parallel_loop3A_59 : vector<16xi32>
        tpu.vector_store_idx %arg9[%parallel_loop3A_60], %parallel_loop3A_57 {add = true} : memref<40960xf32, #tpu.memory_space<vmem>>[vector<16xi32>], vector<16xf32>,
        %parallel_loop3A_61 = arith.constant 3 : i32
        %parallel_loop3A_62 = vector.broadcast %parallel_loop3A_61 : i32 to vector<16xi32>
        %parallel_loop3A_63 = arith.addi %parallel_loop3A_36, %parallel_loop3A_62 : vector<16xi32>
        %parallel_loop3A_64 = tpu.vector_load_idx %arg8[%parallel_loop3A_63] : memref<40960xf32, #tpu.memory_space<vmem>>[vector<16xi32>], vector<16xf32>,
        %parallel_loop3A_65 = arith.constant 3 : i32
        %parallel_loop3A_66 = vector.broadcast %parallel_loop3A_65 : i32 to vector<16xi32>
        %parallel_loop3A_67 = arith.addi %parallel_loop3A_39, %parallel_loop3A_66 : vector<16xi32>
        tpu.vector_store_idx %arg9[%parallel_loop3A_67], %parallel_loop3A_64 {add = true} : memref<40960xf32, #tpu.memory_space<vmem>>[vector<16xi32>], vector<16xf32>,
      } {sc.loop_unroll_factor = 4 : i64, sc.parallel_access}
      %scan3A_24 = arith.constant 0 : i32
      scf.yield %scan3A_24 : i32
    }
    %scan3A_15 = arith.constant 32 : i32
    "tpu.region"() ({
      %run_scoped3A = tpu.sem_alloc : memref<!tpu.dma_semaphore, #tpu.memory_space<semaphore_mem>>
      %dma_start3A = arith.constant 0 : i32
      %dma_start3A_16 = tpu.memref_slice %arg5[%add3A, %dma_start3A] : memref<32x40960xf32, #tpu.memory_space<hbm>> -> memref<1x40960xf32, #tpu.memory_space<hbm>>
      %dma_start3A_17 = tpu.memref_squeeze %dma_start3A_16 : memref<1x40960xf32, #tpu.memory_space<hbm>> -> memref<40960xf32, #tpu.memory_space<hbm>>
      %dma_start3A_18 = arith.constant 0 : i32
      %dma_start3A_19 = tpu.memref_slice %arg5[%add3A, %dma_start3A_18] : memref<32x40960xf32, #tpu.memory_space<hbm>> -> memref<1x40960xf32, #tpu.memory_space<hbm>>
      %dma_start3A_20 = tpu.memref_squeeze %dma_start3A_19 : memref<1x40960xf32, #tpu.memory_space<hbm>> -> memref<40960xf32, #tpu.memory_space<hbm>>
      tpu.enqueue_dma source(%arg9 : memref<40960xf32, #tpu.memory_space<vmem>>) target(%dma_start3A_20 : memref<40960xf32, #tpu.memory_space<hbm>>) target_semaphore(%run_scoped3A : memref<!tpu.dma_semaphore, #tpu.memory_space<semaphore_mem>>)
      %dma_wait3A = arith.constant 0 : i32
      %dma_wait3A_21 = tpu.memref_slice %arg5[%add3A, %dma_wait3A] : memref<32x40960xf32, #tpu.memory_space<hbm>> -> memref<1x40960xf32, #tpu.memory_space<hbm>>
      %dma_wait3A_22 = tpu.memref_squeeze %dma_wait3A_21 : memref<1x40960xf32, #tpu.memory_space<hbm>> -> memref<40960xf32, #tpu.memory_space<hbm>>
      %dma_wait3A_23 = arith.constant 0 : i32
      %dma_wait3A_24 = tpu.memref_slice %arg5[%add3A, %dma_wait3A_23] : memref<32x40960xf32, #tpu.memory_space<hbm>> -> memref<1x40960xf32, #tpu.memory_space<hbm>>
      %dma_wait3A_25 = tpu.memref_squeeze %dma_wait3A_24 : memref<1x40960xf32, #tpu.memory_space<hbm>> -> memref<40960xf32, #tpu.memory_space<hbm>>
      tpu.wait_dma2 semaphore(%run_scoped3A : memref<!tpu.dma_semaphore, #tpu.memory_space<semaphore_mem>>) src(%arg9 : memref<40960xf32, #tpu.memory_space<vmem>>) dst(%dma_wait3A_25 : memref<40960xf32, #tpu.memory_space<hbm>>)
      tpu.yield
    }) : () -> ()
    return
  }
}

#map = affine_map<(d0, d1) -> (0)>
#map1 = affine_map<(d0, d1) -> (0, 0)>
module attributes {stable_mosaic.version = 14 : i64} {
  func.func @scatter_kernel(%arg0: i32, %arg1: i32, %arg2: memref<1310720xf32, #tpu.memory_space<hbm>>, %arg3: memref<320000xi32, #tpu.memory_space<hbm>>, %arg4: memref<320000xi32, #tpu.memory_space<hbm>>, %arg5: memref<32x40960xf32, #tpu.memory_space<hbm>>, %arg6: memref<10000xi32, #tpu.memory_space<vmem>>, %arg7: memref<10000xi32, #tpu.memory_space<vmem>>, %arg8: memref<40960xf32, #tpu.memory_space<vmem>>, %arg9: memref<40960xf32, #tpu.memory_space<vmem>>) attributes {dimension_semantics = [#tpu.dimension_semantics<core_parallel>, #tpu.dimension_semantics<subcore_parallel>], iteration_bounds = array<i64: 2, 16>, scalar_prefetch = 0 : i64, scratch_operands = 4 : i64, tpu.core_type = #tpu.core_type<sc_vector_subcore>, window_params = [{transform_indices = #map}, {transform_indices = #map}, {transform_indices = #map}, {transform_indices = #map1}]} {
    %mul3A = arith.constant 2 : i32
    %mul3A_0 = arith.muli %arg1, %mul3A : i32
    %add3A = arith.addi %mul3A_0, %arg0 : i32
    %mul3A_1 = arith.constant 40960 : i32
    %mul3A_2 = arith.muli %add3A, %mul3A_1 : i32
    "tpu.region"() ({
      %run_scoped3A = tpu.sem_alloc : memref<!tpu.dma_semaphore, #tpu.memory_space<semaphore_mem>>
      %dma_start3A = tpu.memref_slice %arg2[%mul3A_2] : memref<1310720xf32, #tpu.memory_space<hbm>> -> memref<40960xf32, #tpu.memory_space<hbm>>
      %dma_start3A_16 = tpu.memref_slice %arg2[%mul3A_2] : memref<1310720xf32, #tpu.memory_space<hbm>> -> memref<40960xf32, #tpu.memory_space<hbm>>
      tpu.enqueue_dma source(%dma_start3A_16 : memref<40960xf32, #tpu.memory_space<hbm>>) target(%arg8 : memref<40960xf32, #tpu.memory_space<vmem>>) target_semaphore(%run_scoped3A : memref<!tpu.dma_semaphore, #tpu.memory_space<semaphore_mem>>)
      %dma_wait3A = tpu.memref_slice %arg2[%mul3A_2] : memref<1310720xf32, #tpu.memory_space<hbm>> -> memref<40960xf32, #tpu.memory_space<hbm>>
      %dma_wait3A_17 = tpu.memref_slice %arg2[%mul3A_2] : memref<1310720xf32, #tpu.memory_space<hbm>> -> memref<40960xf32, #tpu.memory_space<hbm>>
      tpu.wait_dma2 semaphore(%run_scoped3A : memref<!tpu.dma_semaphore, #tpu.memory_space<semaphore_mem>>) src(%dma_wait3A_17 : memref<40960xf32, #tpu.memory_space<hbm>>) dst(%arg8 : memref<40960xf32, #tpu.memory_space<vmem>>)
      tpu.yield
    }) : () -> ()
    %scan3A = arith.constant 0 : i32
    %scan3A_3 = arith.constant 0 : i32
    %scan3A_4 = arith.constant 2560 : i32
    %scan3A_5 = arith.addi %scan3A_3, %scan3A_4 : i32
    %scan3A_6 = arith.constant 1 : i32
    %scan3A_7 = scf.for %scan3A_16 = %scan3A_3 to %scan3A_5 step %scan3A_6 iter_args(%scan3A_17 = %scan3A) -> (i32)  : i32 {
      %broadcast_in_dim3A = arith.constant 0.000000e+00 : f32
      %broadcast_in_dim3A_18 = vector.broadcast %broadcast_in_dim3A : f32 to vector<16xf32>
      %mul3A_19 = arith.constant 16 : i32
      %mul3A_20 = arith.muli %scan3A_16, %mul3A_19 : i32
      %swap3A = arith.index_cast %mul3A_20 : i32 to index
      %swap3A_21 = tpu.vector_load %arg9[%swap3A] {strides = array<i32>} : memref<40960xf32, #tpu.memory_space<vmem>>, vector<16xf32>,
      tpu.vector_store %arg9[%swap3A], %broadcast_in_dim3A_18 {strides = array<i32>} : memref<40960xf32, #tpu.memory_space<vmem>>, vector<16xf32>,
      %scan3A_22 = arith.constant 0 : i32
      scf.yield %scan3A_22 : i32
    }
    %scan3A_8 = arith.constant 2560 : i32
    %scan3A_9 = arith.constant 0 : i32
    %scan3A_10 = arith.constant 0 : i32
    %scan3A_11 = arith.constant 32 : i32
    %scan3A_12 = arith.addi %scan3A_10, %scan3A_11 : i32
    %scan3A_13 = arith.constant 1 : i32
    %scan3A_14 = scf.for %scan3A_16 = %scan3A_10 to %scan3A_12 step %scan3A_13 iter_args(%scan3A_17 = %scan3A_9) -> (i32)  : i32 {
      %mul3A_18 = arith.constant 10000 : i32
      %mul3A_19 = arith.muli %scan3A_16, %mul3A_18 : i32
      "tpu.region"() ({
        %run_scoped3A = tpu.sem_alloc : memref<!tpu.dma_semaphore, #tpu.memory_space<semaphore_mem>>
        %dma_start3A = tpu.memref_slice %arg3[%mul3A_19] : memref<320000xi32, #tpu.memory_space<hbm>> -> memref<10000xi32, #tpu.memory_space<hbm>>
        %dma_start3A_25 = tpu.memref_slice %arg3[%mul3A_19] : memref<320000xi32, #tpu.memory_space<hbm>> -> memref<10000xi32, #tpu.memory_space<hbm>>
        tpu.enqueue_dma source(%dma_start3A_25 : memref<10000xi32, #tpu.memory_space<hbm>>) target(%arg6 : memref<10000xi32, #tpu.memory_space<vmem>>) target_semaphore(%run_scoped3A : memref<!tpu.dma_semaphore, #tpu.memory_space<semaphore_mem>>)
        %dma_wait3A = tpu.memref_slice %arg3[%mul3A_19] : memref<320000xi32, #tpu.memory_space<hbm>> -> memref<10000xi32, #tpu.memory_space<hbm>>
        %dma_wait3A_26 = tpu.memref_slice %arg3[%mul3A_19] : memref<320000xi32, #tpu.memory_space<hbm>> -> memref<10000xi32, #tpu.memory_space<hbm>>
        tpu.wait_dma2 semaphore(%run_scoped3A : memref<!tpu.dma_semaphore, #tpu.memory_space<semaphore_mem>>) src(%dma_wait3A_26 : memref<10000xi32, #tpu.memory_space<hbm>>) dst(%arg6 : memref<10000xi32, #tpu.memory_space<vmem>>)
        tpu.yield
      }) : () -> ()
      %mul3A_20 = arith.constant 10000 : i32
      %mul3A_21 = arith.muli %scan3A_16, %mul3A_20 : i32
      "tpu.region"() ({
        %run_scoped3A = tpu.sem_alloc : memref<!tpu.dma_semaphore, #tpu.memory_space<semaphore_mem>>
        %dma_start3A = tpu.memref_slice %arg4[%mul3A_21] : memref<320000xi32, #tpu.memory_space<hbm>> -> memref<10000xi32, #tpu.memory_space<hbm>>
        %dma_start3A_25 = tpu.memref_slice %arg4[%mul3A_21] : memref<320000xi32, #tpu.memory_space<hbm>> -> memref<10000xi32, #tpu.memory_space<hbm>>
        tpu.enqueue_dma source(%dma_start3A_25 : memref<10000xi32, #tpu.memory_space<hbm>>) target(%arg7 : memref<10000xi32, #tpu.memory_space<vmem>>) target_semaphore(%run_scoped3A : memref<!tpu.dma_semaphore, #tpu.memory_space<semaphore_mem>>)
        %dma_wait3A = tpu.memref_slice %arg4[%mul3A_21] : memref<320000xi32, #tpu.memory_space<hbm>> -> memref<10000xi32, #tpu.memory_space<hbm>>
        %dma_wait3A_26 = tpu.memref_slice %arg4[%mul3A_21] : memref<320000xi32, #tpu.memory_space<hbm>> -> memref<10000xi32, #tpu.memory_space<hbm>>
        tpu.wait_dma2 semaphore(%run_scoped3A : memref<!tpu.dma_semaphore, #tpu.memory_space<semaphore_mem>>) src(%dma_wait3A_26 : memref<10000xi32, #tpu.memory_space<hbm>>) dst(%arg7 : memref<10000xi32, #tpu.memory_space<vmem>>)
        tpu.yield
      }) : () -> ()
      %parallel_loop3A = arith.constant 0 : i32
      %parallel_loop3A_22 = arith.constant 625 : i32
      %parallel_loop3A_23 = arith.constant 1 : i32
      scf.for %parallel_loop3A_25 = %parallel_loop3A to %parallel_loop3A_22 step %parallel_loop3A_23  : i32 {
        %parallel_loop3A_26 = arith.constant 16 : i32
        %parallel_loop3A_27 = arith.muli %parallel_loop3A_25, %parallel_loop3A_26 : i32
        %parallel_loop3A_28 = arith.index_cast %parallel_loop3A_27 : i32 to index
        %parallel_loop3A_29 = tpu.vector_load %arg6[%parallel_loop3A_28] {strides = array<i32>} : memref<10000xi32, #tpu.memory_space<vmem>>, vector<16xi32>,
        %parallel_loop3A_30 = arith.constant 16 : i32
        %parallel_loop3A_31 = arith.muli %parallel_loop3A_25, %parallel_loop3A_30 : i32
        %parallel_loop3A_32 = arith.index_cast %parallel_loop3A_31 : i32 to index
        %parallel_loop3A_33 = tpu.vector_load %arg7[%parallel_loop3A_32] {strides = array<i32>} : memref<10000xi32, #tpu.memory_space<vmem>>, vector<16xi32>,
        %parallel_loop3A_34 = arith.constant 4 : i32
        %parallel_loop3A_35 = vector.broadcast %parallel_loop3A_34 : i32 to vector<16xi32>
        %parallel_loop3A_36 = arith.muli %parallel_loop3A_29, %parallel_loop3A_35 : vector<16xi32>
        %parallel_loop3A_37 = arith.constant 4 : i32
        %parallel_loop3A_38 = vector.broadcast %parallel_loop3A_37 : i32 to vector<16xi32>
        %parallel_loop3A_39 = arith.muli %parallel_loop3A_33, %parallel_loop3A_38 : vector<16xi32>
        %parallel_loop3A_40 = arith.constant 0 : i32
        %parallel_loop3A_41 = vector.broadcast %parallel_loop3A_40 : i32 to vector<16xi32>
        %parallel_loop3A_42 = arith.addi %parallel_loop3A_36, %parallel_loop3A_41 : vector<16xi32>
        %parallel_loop3A_43 = tpu.vector_load_idx %arg8[%parallel_loop3A_42] : memref<40960xf32, #tpu.memory_space<vmem>>[vector<16xi32>], vector<16xf32>,
        %parallel_loop3A_44 = arith.constant 0 : i32
        %parallel_loop3A_45 = vector.broadcast %parallel_loop3A_44 : i32 to vector<16xi32>
        %parallel_loop3A_46 = arith.addi %parallel_loop3A_39, %parallel_loop3A_45 : vector<16xi32>
        tpu.vector_store_idx %arg9[%parallel_loop3A_46], %parallel_loop3A_43 {add = true} : memref<40960xf32, #tpu.memory_space<vmem>>[vector<16xi32>], vector<16xf32>,
        %parallel_loop3A_47 = arith.constant 1 : i32
        %parallel_loop3A_48 = vector.broadcast %parallel_loop3A_47 : i32 to vector<16xi32>
        %parallel_loop3A_49 = arith.addi %parallel_loop3A_36, %parallel_loop3A_48 : vector<16xi32>
        %parallel_loop3A_50 = tpu.vector_load_idx %arg8[%parallel_loop3A_49] : memref<40960xf32, #tpu.memory_space<vmem>>[vector<16xi32>], vector<16xf32>,
        %parallel_loop3A_51 = arith.constant 1 : i32
        %parallel_loop3A_52 = vector.broadcast %parallel_loop3A_51 : i32 to vector<16xi32>
        %parallel_loop3A_53 = arith.addi %parallel_loop3A_39, %parallel_loop3A_52 : vector<16xi32>
        tpu.vector_store_idx %arg9[%parallel_loop3A_53], %parallel_loop3A_50 {add = true} : memref<40960xf32, #tpu.memory_space<vmem>>[vector<16xi32>], vector<16xf32>,
        %parallel_loop3A_54 = arith.constant 2 : i32
        %parallel_loop3A_55 = vector.broadcast %parallel_loop3A_54 : i32 to vector<16xi32>
        %parallel_loop3A_56 = arith.addi %parallel_loop3A_36, %parallel_loop3A_55 : vector<16xi32>
        %parallel_loop3A_57 = tpu.vector_load_idx %arg8[%parallel_loop3A_56] : memref<40960xf32, #tpu.memory_space<vmem>>[vector<16xi32>], vector<16xf32>,
        %parallel_loop3A_58 = arith.constant 2 : i32
        %parallel_loop3A_59 = vector.broadcast %parallel_loop3A_58 : i32 to vector<16xi32>
        %parallel_loop3A_60 = arith.addi %parallel_loop3A_39, %parallel_loop3A_59 : vector<16xi32>
        tpu.vector_store_idx %arg9[%parallel_loop3A_60], %parallel_loop3A_57 {add = true} : memref<40960xf32, #tpu.memory_space<vmem>>[vector<16xi32>], vector<16xf32>,
        %parallel_loop3A_61 = arith.constant 3 : i32
        %parallel_loop3A_62 = vector.broadcast %parallel_loop3A_61 : i32 to vector<16xi32>
        %parallel_loop3A_63 = arith.addi %parallel_loop3A_36, %parallel_loop3A_62 : vector<16xi32>
        %parallel_loop3A_64 = tpu.vector_load_idx %arg8[%parallel_loop3A_63] : memref<40960xf32, #tpu.memory_space<vmem>>[vector<16xi32>], vector<16xf32>,
        %parallel_loop3A_65 = arith.constant 3 : i32
        %parallel_loop3A_66 = vector.broadcast %parallel_loop3A_65 : i32 to vector<16xi32>
        %parallel_loop3A_67 = arith.addi %parallel_loop3A_39, %parallel_loop3A_66 : vector<16xi32>
        tpu.vector_store_idx %arg9[%parallel_loop3A_67], %parallel_loop3A_64 {add = true} : memref<40960xf32, #tpu.memory_space<vmem>>[vector<16xi32>], vector<16xf32>,
      } {sc.loop_unroll_factor = 4 : i64, sc.parallel_access}
      %scan3A_24 = arith.constant 0 : i32
      scf.yield %scan3A_24 : i32
    }
    %scan3A_15 = arith.constant 32 : i32
    "tpu.region"() ({
      %run_scoped3A = tpu.sem_alloc : memref<!tpu.dma_semaphore, #tpu.memory_space<semaphore_mem>>
      %dma_start3A = arith.constant 0 : i32
      %dma_start3A_16 = tpu.memref_slice %arg5[%add3A, %dma_start3A] : memref<32x40960xf32, #tpu.memory_space<hbm>> -> memref<1x40960xf32, #tpu.memory_space<hbm>>
      %dma_start3A_17 = tpu.memref_squeeze %dma_start3A_16 : memref<1x40960xf32, #tpu.memory_space<hbm>> -> memref<40960xf32, #tpu.memory_space<hbm>>
      %dma_start3A_18 = arith.constant 0 : i32
      %dma_start3A_19 = tpu.memref_slice %arg5[%add3A, %dma_start3A_18] : memref<32x40960xf32, #tpu.memory_space<hbm>> -> memref<1x40960xf32, #tpu.memory_space<hbm>>
      %dma_start3A_20 = tpu.memref_squeeze %dma_start3A_19 : memref<1x40960xf32, #tpu.memory_space<hbm>> -> memref<40960xf32, #tpu.memory_space<hbm>>
      tpu.enqueue_dma source(%arg9 : memref<40960xf32, #tpu.memory_space<vmem>>) target(%dma_start3A_20 : memref<40960xf32, #tpu.memory_space<hbm>>) target_semaphore(%run_scoped3A : memref<!tpu.dma_semaphore, #tpu.memory_space<semaphore_mem>>)
      %dma_wait3A = arith.constant 0 : i32
      %dma_wait3A_21 = tpu.memref_slice %arg5[%add3A, %dma_wait3A] : memref<32x40960xf32, #tpu.memory_space<hbm>> -> memref<1x40960xf32, #tpu.memory_space<hbm>>
      %dma_wait3A_22 = tpu.memref_squeeze %dma_wait3A_21 : memref<1x40960xf32, #tpu.memory_space<hbm>> -> memref<40960xf32, #tpu.memory_space<hbm>>
      %dma_wait3A_23 = arith.constant 0 : i32
      %dma_wait3A_24 = tpu.memref_slice %arg5[%add3A, %dma_wait3A_23] : memref<32x40960xf32, #tpu.memory_space<hbm>> -> memref<1x40960xf32, #tpu.memory_space<hbm>>
      %dma_wait3A_25 = tpu.memref_squeeze %dma_wait3A_24 : memref<1x40960xf32, #tpu.memory_space<hbm>> -> memref<40960xf32, #tpu.memory_space<hbm>>
      tpu.wait_dma2 semaphore(%run_scoped3A : memref<!tpu.dma_semaphore, #tpu.memory_space<semaphore_mem>>) src(%arg9 : memref<40960xf32, #tpu.memory_space<vmem>>) dst(%dma_wait3A_25 : memref<40960xf32, #tpu.memory_space<hbm>>)
      tpu.yield
    }) : () -> ()
    return
  }
}

module attributes {stable_mosaic.version = 14 : i64} {
  func.func @body(%arg0: i32, %arg1: memref<512x128xf32, #tpu.memory_space<vmem>>, %arg2: memref<128x128xf32, #tpu.memory_space<vmem>>, %arg3: memref<32x512xf32, #tpu.memory_space<vmem>>, %arg4: memref<512x128xf32, #tpu.memory_space<vmem>>, %arg5: memref<512x1xf32, #tpu.memory_space<vmem>>) attributes {dimension_semantics = [#tpu.dimension_semantics<arbitrary>], iteration_bounds = array<i64: 20>, scalar_prefetch = 0 : i64, scratch_operands = 0 : i64, tpu.core_type = #tpu.core_type<tc>, window_params = [{transform_indices = @transform_0, window_bounds = array<i64: 512, 128>}, {pipeline_mode = #tpu.pipeline_mode<synchronous>, transform_indices = @transform_1, window_bounds = array<i64: 128, 128>}, {transform_indices = @transform_2, window_bounds = array<i64: 32, 512>}, {transform_indices = @transform_3, window_bounds = array<i64: 512, 128>}, {transform_indices = @transform_4, window_bounds = array<i64: 512, 1>}]} {
    %broadcast_in_dim3A = arith.constant 1.000000e+00 : f32
    %broadcast_in_dim3A_0 = vector.broadcast %broadcast_in_dim3A : f32 to vector<32x1xf32>
    %get3A = arith.constant 0 : index
    %get3A_1 = arith.constant 0 : index
    %get3A_2 = vector.load %arg3[%get3A, %get3A_1] : memref<32x512xf32, #tpu.memory_space<vmem>>, vector<32x512xf32>
    %dot_general3A = arith.constant dense<0.000000e+00> : vector<512x1xf32>
    %dot_general3A_3 = tpu.matmul %get3A_2, %broadcast_in_dim3A_0, %dot_general3A {dimension_numbers = #tpu.dot_dimension_numbers<[0], [0], [1], [1], [0, 1, 1, 1], [], []>, transpose_lhs_hint = false} : vector<32x512xf32>, vector<32x1xf32>, vector<512x1xf32> -> vector<512x1xf32>
    %add3A = arith.constant 1.000000e+00 : f32
    %add3A_4 = vector.broadcast %add3A : f32 to vector<512x1xf32>
    %add3A_5 = arith.addf %dot_general3A_3, %add3A_4 : vector<512x1xf32>
    %rsqrt3A = math.rsqrt %add3A_5 : vector<512x1xf32>
    %get3A_6 = arith.constant 0 : index
    %get3A_7 = arith.constant 0 : index
    %get3A_8 = vector.load %arg1[%get3A_6, %get3A_7] : memref<512x128xf32, #tpu.memory_space<vmem>>, vector<512x128xf32>
    %get3A_9 = arith.constant 0 : index
    %get3A_10 = arith.constant 0 : index
    %get3A_11 = vector.load %arg2[%get3A_9, %get3A_10] : memref<128x128xf32, #tpu.memory_space<vmem>>, vector<128x128xf32>
    %dot_general3A_12 = arith.constant dense<0.000000e+00> : vector<512x128xf32>
    %dot_general3A_13 = tpu.matmul %get3A_8, %get3A_11, %dot_general3A_12 {dimension_numbers = #tpu.dot_dimension_numbers<[1], [0], [0], [1], [0, 0, 1, 1], [], []>, transpose_lhs_hint = false} : vector<512x128xf32>, vector<128x128xf32>, vector<512x128xf32> -> vector<512x128xf32>
    %mul3A = vector.broadcast %rsqrt3A : vector<512x1xf32> to vector<512x128xf32>
    %mul3A_14 = arith.mulf %dot_general3A_13, %mul3A : vector<512x128xf32>
    %swap3A = arith.constant 0 : index
    %swap3A_15 = arith.constant 0 : index
    %swap3A_16 = vector.load %arg4[%swap3A, %swap3A_15] : memref<512x128xf32, #tpu.memory_space<vmem>>, vector<512x128xf32>
    tpu.vector_store %arg4[%swap3A, %swap3A_15], %mul3A_14 {strides = array<i32>} : memref<512x128xf32, #tpu.memory_space<vmem>>, vector<512x128xf32>,
    %swap3A_17 = arith.constant 0 : index
    %swap3A_18 = arith.constant 0 : index
    %swap3A_19 = vector.load %arg5[%swap3A_17, %swap3A_18] : memref<512x1xf32, #tpu.memory_space<vmem>>, vector<512x1xf32>
    tpu.vector_store %arg5[%swap3A_17, %swap3A_18], %rsqrt3A {strides = array<i32>} : memref<512x1xf32, #tpu.memory_space<vmem>>, vector<512x1xf32>,
    return
  }
  func.func @transform_0(%arg0: i32) -> (i32, i32) {
    %c0_i32 = arith.constant 0 : i32
    %c0_i32_0 = arith.constant 0 : i32
    return %arg0, %c0_i32 : i32, i32
  }
  func.func @transform_1(%arg0: i32) -> (i32, i32) {
    %c0_i32 = arith.constant 0 : i32
    %c0_i32_0 = arith.constant 0 : i32
    %c0_i32_1 = arith.constant 0 : i32
    return %c0_i32, %c0_i32_0 : i32, i32
  }
  func.func @transform_2(%arg0: i32) -> (i32, i32) {
    %c0_i32 = arith.constant 0 : i32
    %c0_i32_0 = arith.constant 0 : i32
    return %c0_i32, %arg0 : i32, i32
  }
  func.func @transform_3(%arg0: i32) -> (i32, i32) {
    %c0_i32 = arith.constant 0 : i32
    %c0_i32_0 = arith.constant 0 : i32
    return %arg0, %c0_i32 : i32, i32
  }
  func.func @transform_4(%arg0: i32) -> (i32, i32) {
    %c0_i32 = arith.constant 0 : i32
    %c0_i32_0 = arith.constant 0 : i32
    return %arg0, %c0_i32 : i32, i32
  }
}

module attributes {stable_mosaic.version = 14 : i64} {
  func.func @body(%arg0: i32, %arg1: memref<512x128xf32, #tpu.memory_space<vmem>>, %arg2: memref<512x128xf32, #tpu.memory_space<vmem>>, %arg3: memref<512x1xf32, #tpu.memory_space<vmem>>, %arg4: memref<128x128xf32, #tpu.memory_space<vmem>>, %arg5: memref<1x128xf32, #tpu.memory_space<vmem>>, %arg6: memref<512x128xf32, #tpu.memory_space<vmem>>) attributes {dimension_semantics = [#tpu.dimension_semantics<arbitrary>], iteration_bounds = array<i64: 20>, scalar_prefetch = 0 : i64, scratch_operands = 0 : i64, tpu.core_type = #tpu.core_type<tc>, window_params = [{transform_indices = @transform_0, window_bounds = array<i64: 512, 128>}, {transform_indices = @transform_1, window_bounds = array<i64: 512, 128>}, {transform_indices = @transform_2, window_bounds = array<i64: 512, 1>}, {pipeline_mode = #tpu.pipeline_mode<synchronous>, transform_indices = @transform_3, window_bounds = array<i64: 128, 128>}, {pipeline_mode = #tpu.pipeline_mode<synchronous>, transform_indices = @transform_4, window_bounds = array<i64: 1, 128>}, {transform_indices = @transform_5, window_bounds = array<i64: 512, 128>}]} {
    %get3A = arith.constant 0 : index
    %get3A_0 = arith.constant 0 : index
    %get3A_1 = vector.load %arg1[%get3A, %get3A_0] : memref<512x128xf32, #tpu.memory_space<vmem>>, vector<512x128xf32>
    %get3A_2 = arith.constant 0 : index
    %get3A_3 = arith.constant 0 : index
    %get3A_4 = vector.load %arg2[%get3A_2, %get3A_3] : memref<512x128xf32, #tpu.memory_space<vmem>>, vector<512x128xf32>
    %add3A = arith.addf %get3A_1, %get3A_4 : vector<512x128xf32>
    %get3A_5 = arith.constant 0 : index
    %get3A_6 = arith.constant 0 : index
    %get3A_7 = vector.load %arg3[%get3A_5, %get3A_6] : memref<512x1xf32, #tpu.memory_space<vmem>>, vector<512x1xf32>
    %mul3A = vector.broadcast %get3A_7 : vector<512x1xf32> to vector<512x128xf32>
    %mul3A_8 = arith.mulf %mul3A, %add3A : vector<512x128xf32>
    %get3A_9 = arith.constant 0 : index
    %get3A_10 = arith.constant 0 : index
    %get3A_11 = vector.load %arg5[%get3A_9, %get3A_10] : memref<1x128xf32, #tpu.memory_space<vmem>>, vector<1x128xf32>
    %add3A_12 = vector.broadcast %get3A_11 : vector<1x128xf32> to vector<512x128xf32>
    %add3A_13 = arith.addf %mul3A_8, %add3A_12 : vector<512x128xf32>
    %max3A = arith.constant 0.000000e+00 : f32
    %max3A_14 = vector.broadcast %max3A : f32 to vector<512x128xf32>
    %max3A_15 = arith.maximumf %add3A_13, %max3A_14 : vector<512x128xf32>
    %get3A_16 = arith.constant 0 : index
    %get3A_17 = arith.constant 0 : index
    %get3A_18 = vector.load %arg4[%get3A_16, %get3A_17] : memref<128x128xf32, #tpu.memory_space<vmem>>, vector<128x128xf32>
    %dot_general3A = arith.constant dense<0.000000e+00> : vector<512x128xf32>
    %dot_general3A_19 = tpu.matmul %max3A_15, %get3A_18, %dot_general3A {dimension_numbers = #tpu.dot_dimension_numbers<[1], [0], [0], [1], [0, 0, 1, 1], [], []>, transpose_lhs_hint = false} : vector<512x128xf32>, vector<128x128xf32>, vector<512x128xf32> -> vector<512x128xf32>
    %get3A_20 = arith.constant 0 : index
    %get3A_21 = arith.constant 0 : index
    %get3A_22 = vector.load %arg3[%get3A_20, %get3A_21] : memref<512x1xf32, #tpu.memory_space<vmem>>, vector<512x1xf32>
    %mul3A_23 = vector.broadcast %get3A_22 : vector<512x1xf32> to vector<512x128xf32>
    %mul3A_24 = arith.mulf %dot_general3A_19, %mul3A_23 : vector<512x128xf32>
    %swap3A = arith.constant 0 : index
    %swap3A_25 = arith.constant 0 : index
    %swap3A_26 = vector.load %arg6[%swap3A, %swap3A_25] : memref<512x128xf32, #tpu.memory_space<vmem>>, vector<512x128xf32>
    tpu.vector_store %arg6[%swap3A, %swap3A_25], %mul3A_24 {strides = array<i32>} : memref<512x128xf32, #tpu.memory_space<vmem>>, vector<512x128xf32>,
    return
  }
  func.func @transform_0(%arg0: i32) -> (i32, i32) {
    %c0_i32 = arith.constant 0 : i32
    %c0_i32_0 = arith.constant 0 : i32
    return %arg0, %c0_i32 : i32, i32
  }
  func.func @transform_1(%arg0: i32) -> (i32, i32) {
    %c0_i32 = arith.constant 0 : i32
    %c0_i32_0 = arith.constant 0 : i32
    return %arg0, %c0_i32 : i32, i32
  }
  func.func @transform_2(%arg0: i32) -> (i32, i32) {
    %c0_i32 = arith.constant 0 : i32
    %c0_i32_0 = arith.constant 0 : i32
    return %arg0, %c0_i32 : i32, i32
  }
  func.func @transform_3(%arg0: i32) -> (i32, i32) {
    %c0_i32 = arith.constant 0 : i32
    %c0_i32_0 = arith.constant 0 : i32
    %c0_i32_1 = arith.constant 0 : i32
    return %c0_i32, %c0_i32_0 : i32, i32
  }
  func.func @transform_4(%arg0: i32) -> (i32, i32) {
    %c0_i32 = arith.constant 0 : i32
    %c0_i32_0 = arith.constant 0 : i32
    %c0_i32_1 = arith.constant 0 : i32
    return %c0_i32, %c0_i32_0 : i32, i32
  }
  func.func @transform_5(%arg0: i32) -> (i32, i32) {
    %c0_i32 = arith.constant 0 : i32
    %c0_i32_0 = arith.constant 0 : i32
    return %arg0, %c0_i32 : i32, i32
  }
}

module attributes {stable_mosaic.version = 14 : i64} {
  func.func @body(%arg0: i32, %arg1: memref<512x128xf32, #tpu.memory_space<vmem>>, %arg2: memref<512x128xf32, #tpu.memory_space<vmem>>, %arg3: memref<512x1xf32, #tpu.memory_space<vmem>>, %arg4: memref<512x1xi32, #tpu.memory_space<vmem>>, %arg5: memref<1x128xf32, #tpu.memory_space<vmem>>, %arg6: memref<128x64xf32, #tpu.memory_space<vmem>>, %arg7: memref<1x64xf32, #tpu.memory_space<vmem>>, %arg8: memref<64x64xf32, #tpu.memory_space<vmem>>, %arg9: memref<64x128xf32, #tpu.memory_space<vmem>>, %arg10: memref<64x1xf32, #tpu.memory_space<vmem>>) attributes {dimension_semantics = [#tpu.dimension_semantics<arbitrary>], iteration_bounds = array<i64: 20>, scalar_prefetch = 0 : i64, scratch_operands = 2 : i64, tpu.core_type = #tpu.core_type<tc>, window_params = [{transform_indices = @transform_0, window_bounds = array<i64: 512, 128>}, {transform_indices = @transform_1, window_bounds = array<i64: 512, 128>}, {transform_indices = @transform_2, window_bounds = array<i64: 512, 1>}, {transform_indices = @transform_3, window_bounds = array<i64: 512, 1>}, {pipeline_mode = #tpu.pipeline_mode<synchronous>, transform_indices = @transform_4, window_bounds = array<i64: 1, 128>}, {pipeline_mode = #tpu.pipeline_mode<synchronous>, transform_indices = @transform_5, window_bounds = array<i64: 128, 64>}, {pipeline_mode = #tpu.pipeline_mode<synchronous>, transform_indices = @transform_6, window_bounds = array<i64: 1, 64>}, {pipeline_mode = #tpu.pipeline_mode<synchronous>, transform_indices = @transform_7, window_bounds = array<i64: 64, 64>}]} {
    %eq3A = arith.constant 0 : i32
    %eq3A_0 = arith.cmpi eq, %arg0, %eq3A : i32
    %convert_element_type3A = arith.extui %eq3A_0 : i1 to i32
    %cond3A = arith.constant 0 : i32
    %cond3A_1 = arith.cmpi ne, %convert_element_type3A, %cond3A : i32
    scf.if %cond3A_1 {
      %broadcast_in_dim3A_47 = arith.constant 0.000000e+00 : f32
      %broadcast_in_dim3A_48 = vector.broadcast %broadcast_in_dim3A_47 : f32 to vector<64x128xf32>
      %swap3A_49 = arith.constant 0 : index
      %swap3A_50 = arith.constant 0 : index
      %swap3A_51 = vector.load %arg9[%swap3A_49, %swap3A_50] : memref<64x128xf32, #tpu.memory_space<vmem>>, vector<64x128xf32>
      tpu.vector_store %arg9[%swap3A_49, %swap3A_50], %broadcast_in_dim3A_48 {strides = array<i32>} : memref<64x128xf32, #tpu.memory_space<vmem>>, vector<64x128xf32>,
      %broadcast_in_dim3A_52 = arith.constant 0.000000e+00 : f32
      %broadcast_in_dim3A_53 = vector.broadcast %broadcast_in_dim3A_52 : f32 to vector<64x1xf32>
      %swap3A_54 = arith.constant 0 : index
      %swap3A_55 = arith.constant 0 : index
      %swap3A_56 = vector.load %arg10[%swap3A_54, %swap3A_55] : memref<64x1xf32, #tpu.memory_space<vmem>>, vector<64x1xf32>
      tpu.vector_store %arg10[%swap3A_54, %swap3A_55], %broadcast_in_dim3A_53 {strides = array<i32>} : memref<64x1xf32, #tpu.memory_space<vmem>>, vector<64x1xf32>,
    } else {
    }
    %get3A = arith.constant 0 : index
    %get3A_2 = arith.constant 0 : index
    %get3A_3 = vector.load %arg1[%get3A, %get3A_2] : memref<512x128xf32, #tpu.memory_space<vmem>>, vector<512x128xf32>
    %get3A_4 = arith.constant 0 : index
    %get3A_5 = arith.constant 0 : index
    %get3A_6 = vector.load %arg2[%get3A_4, %get3A_5] : memref<512x128xf32, #tpu.memory_space<vmem>>, vector<512x128xf32>
    %add3A = arith.addf %get3A_3, %get3A_6 : vector<512x128xf32>
    %get3A_7 = arith.constant 0 : index
    %get3A_8 = arith.constant 0 : index
    %get3A_9 = vector.load %arg3[%get3A_7, %get3A_8] : memref<512x1xf32, #tpu.memory_space<vmem>>, vector<512x1xf32>
    %mul3A = vector.broadcast %get3A_9 : vector<512x1xf32> to vector<512x128xf32>
    %mul3A_10 = arith.mulf %mul3A, %add3A : vector<512x128xf32>
    %get3A_11 = arith.constant 0 : index
    %get3A_12 = arith.constant 0 : index
    %get3A_13 = vector.load %arg5[%get3A_11, %get3A_12] : memref<1x128xf32, #tpu.memory_space<vmem>>, vector<1x128xf32>
    %add3A_14 = vector.broadcast %get3A_13 : vector<1x128xf32> to vector<512x128xf32>
    %add3A_15 = arith.addf %mul3A_10, %add3A_14 : vector<512x128xf32>
    %max3A = arith.constant 0.000000e+00 : f32
    %max3A_16 = vector.broadcast %max3A : f32 to vector<512x128xf32>
    %max3A_17 = arith.maximumf %add3A_15, %max3A_16 : vector<512x128xf32>
    %get3A_18 = arith.constant 0 : index
    %get3A_19 = arith.constant 0 : index
    %get3A_20 = vector.load %arg4[%get3A_18, %get3A_19] : memref<512x1xi32, #tpu.memory_space<vmem>>, vector<512x1xi32>
    %iota3A = tpu.iota {dimensions = array<i32: 1>} : vector<512x64xi32>
    %eq3A_21 = vector.broadcast %get3A_20 : vector<512x1xi32> to vector<512x64xi32>
    %eq3A_22 = arith.cmpi eq, %eq3A_21, %iota3A : vector<512x64xi32>
    %convert_element_type3A_23 = arith.extui %eq3A_22 : vector<512x64xi1> to vector<512x64xi32>
    %convert_element_type3A_24 = arith.sitofp %convert_element_type3A_23 : vector<512x64xi32> to vector<512x64xf32>
    %get3A_25 = arith.constant 0 : index
    %get3A_26 = arith.constant 0 : index
    %get3A_27 = vector.load %arg9[%get3A_25, %get3A_26] : memref<64x128xf32, #tpu.memory_space<vmem>>, vector<64x128xf32>
    %dot_general3A = arith.constant dense<0.000000e+00> : vector<64x128xf32>
    %dot_general3A_28 = tpu.matmul %convert_element_type3A_24, %max3A_17, %dot_general3A {dimension_numbers = #tpu.dot_dimension_numbers<[0], [0], [1], [1], [0, 1, 1, 1], [], []>, transpose_lhs_hint = false} : vector<512x64xf32>, vector<512x128xf32>, vector<64x128xf32> -> vector<64x128xf32>
    %add3A_29 = arith.addf %get3A_27, %dot_general3A_28 : vector<64x128xf32>
    %swap3A = arith.constant 0 : index
    %swap3A_30 = arith.constant 0 : index
    %swap3A_31 = vector.load %arg9[%swap3A, %swap3A_30] : memref<64x128xf32, #tpu.memory_space<vmem>>, vector<64x128xf32>
    tpu.vector_store %arg9[%swap3A, %swap3A_30], %add3A_29 {strides = array<i32>} : memref<64x128xf32, #tpu.memory_space<vmem>>, vector<64x128xf32>,
    %get3A_32 = arith.constant 0 : index
    %get3A_33 = arith.constant 0 : index
    %get3A_34 = vector.load %arg10[%get3A_32, %get3A_33] : memref<64x1xf32, #tpu.memory_space<vmem>>, vector<64x1xf32>
    %broadcast_in_dim3A = arith.constant 1.000000e+00 : f32
    %broadcast_in_dim3A_35 = vector.broadcast %broadcast_in_dim3A : f32 to vector<512x1xf32>
    %dot_general3A_36 = arith.constant dense<0.000000e+00> : vector<64x1xf32>
    %dot_general3A_37 = tpu.matmul %convert_element_type3A_24, %broadcast_in_dim3A_35, %dot_general3A_36 {dimension_numbers = #tpu.dot_dimension_numbers<[0], [0], [1], [1], [0, 1, 1, 1], [], []>, transpose_lhs_hint = false} : vector<512x64xf32>, vector<512x1xf32>, vector<64x1xf32> -> vector<64x1xf32>
    %add3A_38 = arith.addf %get3A_34, %dot_general3A_37 : vector<64x1xf32>
    %swap3A_39 = arith.constant 0 : index
    %swap3A_40 = arith.constant 0 : index
    %swap3A_41 = vector.load %arg10[%swap3A_39, %swap3A_40] : memref<64x1xf32, #tpu.memory_space<vmem>>, vector<64x1xf32>
    tpu.vector_store %arg10[%swap3A_39, %swap3A_40], %add3A_38 {strides = array<i32>} : memref<64x1xf32, #tpu.memory_space<vmem>>, vector<64x1xf32>,
    %eq3A_42 = arith.constant 19 : i32
    %eq3A_43 = arith.cmpi eq, %arg0, %eq3A_42 : i32
    %convert_element_type3A_44 = arith.extui %eq3A_43 : i1 to i32
    %cond3A_45 = arith.constant 0 : i32
    %cond3A_46 = arith.cmpi ne, %convert_element_type3A_44, %cond3A_45 : i32
    scf.if %cond3A_46 {
      %get3A_47 = arith.constant 0 : index
      %get3A_48 = arith.constant 0 : index
      %get3A_49 = vector.load %arg9[%get3A_47, %get3A_48] : memref<64x128xf32, #tpu.memory_space<vmem>>, vector<64x128xf32>
      %get3A_50 = arith.constant 0 : index
      %get3A_51 = arith.constant 0 : index
      %get3A_52 = vector.load %arg10[%get3A_50, %get3A_51] : memref<64x1xf32, #tpu.memory_space<vmem>>, vector<64x1xf32>
      %max3A_53 = arith.constant 1.000000e+00 : f32
      %max3A_54 = vector.broadcast %max3A_53 : f32 to vector<64x1xf32>
      %max3A_55 = arith.maximumf %get3A_52, %max3A_54 : vector<64x1xf32>
      %div3A = vector.broadcast %max3A_55 : vector<64x1xf32> to vector<64x128xf32>
      %div3A_56 = arith.divf %get3A_49, %div3A : vector<64x128xf32>
      %get3A_57 = arith.constant 0 : index
      %get3A_58 = arith.constant 0 : index
      %get3A_59 = vector.load %arg6[%get3A_57, %get3A_58] : memref<128x64xf32, #tpu.memory_space<vmem>>, vector<128x64xf32>
      %dot_general3A_60 = arith.constant dense<0.000000e+00> : vector<64x64xf32>
      %dot_general3A_61 = tpu.matmul %div3A_56, %get3A_59, %dot_general3A_60 {dimension_numbers = #tpu.dot_dimension_numbers<[1], [0], [0], [1], [0, 0, 1, 1], [], []>, transpose_lhs_hint = false} : vector<64x128xf32>, vector<128x64xf32>, vector<64x64xf32> -> vector<64x64xf32>
      %get3A_62 = arith.constant 0 : index
      %get3A_63 = arith.constant 0 : index
      %get3A_64 = vector.load %arg7[%get3A_62, %get3A_63] : memref<1x64xf32, #tpu.memory_space<vmem>>, vector<1x64xf32>
      %add3A_65 = vector.broadcast %get3A_64 : vector<1x64xf32> to vector<64x64xf32>
      %add3A_66 = arith.addf %dot_general3A_61, %add3A_65 : vector<64x64xf32>
      %swap3A_67 = arith.constant 0 : index
      %swap3A_68 = arith.constant 0 : index
      %swap3A_69 = vector.load %arg8[%swap3A_67, %swap3A_68] : memref<64x64xf32, #tpu.memory_space<vmem>>, vector<64x64xf32>
      tpu.vector_store %arg8[%swap3A_67, %swap3A_68], %add3A_66 {strides = array<i32>} : memref<64x64xf32, #tpu.memory_space<vmem>>, vector<64x64xf32>,
    } else {
    }
    return
  }
  func.func @transform_0(%arg0: i32) -> (i32, i32) {
    %c0_i32 = arith.constant 0 : i32
    %c0_i32_0 = arith.constant 0 : i32
    return %arg0, %c0_i32 : i32, i32
  }
  func.func @transform_1(%arg0: i32) -> (i32, i32) {
    %c0_i32 = arith.constant 0 : i32
    %c0_i32_0 = arith.constant 0 : i32
    return %arg0, %c0_i32 : i32, i32
  }
  func.func @transform_2(%arg0: i32) -> (i32, i32) {
    %c0_i32 = arith.constant 0 : i32
    %c0_i32_0 = arith.constant 0 : i32
    return %arg0, %c0_i32 : i32, i32
  }
  func.func @transform_3(%arg0: i32) -> (i32, i32) {
    %c0_i32 = arith.constant 0 : i32
    %c0_i32_0 = arith.constant 0 : i32
    return %arg0, %c0_i32 : i32, i32
  }
  func.func @transform_4(%arg0: i32) -> (i32, i32) {
    %c0_i32 = arith.constant 0 : i32
    %c0_i32_0 = arith.constant 0 : i32
    %c0_i32_1 = arith.constant 0 : i32
    return %c0_i32, %c0_i32_0 : i32, i32
  }
  func.func @transform_5(%arg0: i32) -> (i32, i32) {
    %c0_i32 = arith.constant 0 : i32
    %c0_i32_0 = arith.constant 0 : i32
    %c0_i32_1 = arith.constant 0 : i32
    return %c0_i32, %c0_i32_0 : i32, i32
  }
  func.func @transform_6(%arg0: i32) -> (i32, i32) {
    %c0_i32 = arith.constant 0 : i32
    %c0_i32_0 = arith.constant 0 : i32
    %c0_i32_1 = arith.constant 0 : i32
    return %c0_i32, %c0_i32_0 : i32, i32
  }
  func.func @transform_7(%arg0: i32) -> (i32, i32) {
    %c0_i32 = arith.constant 0 : i32
    %c0_i32_0 = arith.constant 0 : i32
    %c0_i32_1 = arith.constant 0 : i32
    return %c0_i32, %c0_i32_0 : i32, i32
  }
}

</mosaic_0001>

<sc_bundles>
// kernel: kernel.11.cloned.1.call-start
scs
__scs_entry_jumppad:
0x0: {  	(pc) =	sbr.rel $0x88, $3  }
0x1: {  	(tag) =	ssettag $0x0;
	lr =	simm.s32 $0x1  }
0x2: {  	[smem:$0x3F98] =	sst lr;
	_ =	strace $0xD0000000  }
0x3: {  	_ = 	snop  }
0x4: {  	_ = 	snop  }
0x5: {  	_ = 	snop  }
0x6: {  	_ = 	snop  }
0x7: {  	_ = 	snop  }
__scs_overlays_trampoline_lowered:
0x8: {  	[smem:$0x3FA7] =	sst s0  }
0x9: {  	[smem:$0x3FA8] =	sst s1  }
0xa: {  	[smem:$0x3FA9] =	sst s2  }
0xb: {  	[smem:$0x3FAA] =	sst s3  }
0xc: {  	[smem:$0x3FAB] =	sst s4  }
0xd: {  	[smem:$0x3FAC] =	sst s5  }
0xe: {  	[smem:$0x3FAD] =	sst s6  }
0xf: {  	[smem:$0x3FAE] =	sst s7  }
0x10: {  	[smem:$0x3FAF] =	sst s8  }
0x11: {  	[smem:$0x3FB0] =	sst s9;
	s0 =	simm.s32 @!p0 $0x0  }
0x12: {  	s1 =	sld [smem:$0x3F96];
	s0 =	simm.s32 @p0 $0x1  }
0x13: {  	[smem:$0x3FB1] =	sst s0;
	s0 =	simm.s32 @!p1 $0x0  }
0x14: {  	s2 =	sld [smem:$0x3F95];
	s0 =	simm.s32 @p1 $0x1  }
0x15: {  	[smem:$0x3FB2] =	sst s0;
	s0 =	simm.s32 @!p2 $0x0  }
0x16: {  	s3 =	sld [smem:$0x3FDB];
	s0 =	simm.s32 @p2 $0x1  }
0x17: {  	s4 =	simm.s32 $0x1BF5;
	[smem:$0x3FB4] =	sst s0  }
0x18: {  	s0 =	sld [smem:$0x3F97];
	_ =	swait.ge [sflag:s4], $0x0  }
0x19: {  	s7 =	sld [smem:$0x3F98]  }
0x1a: {  	s8 =	sadd.s32 $0xFFFFE003, lr  }
0x1b: {  	s9 =	sadd.s32 $0xFFFFFEF7, lr;
	s5 =	simm.s32 $0xFFFFFFFF;
	p2 =	slt.u32 s8, $0xFFFFF086  }
0x1c: {  	p1 =	slt.u32 s9, $0xF7A;
	s5 =	simm.s32 @!p2 $0x0  }
0x1d: {  	s5 =	simm.s32 @p1 $0x1;
	p0 =	seq.s32 s7, s2  }
0x1e: {  	s7 =	smul.u32 @!p0 $0xF7A, s2;
	p2 =	seq.s32 @!p0 s5, $0x0  }
0x1f: {  	s9 =	smul.u32 $0xF7A, s1;
	s8 =	simm.s32 @!p0 $0x1BF5;
	p2 =	por !p2, p0  }
0x20: {  	[sflag:s8] =	ssyncset.s32 @!p0 $0xFFFFF086;
	s6 =	sadd.s32 @!p0 s3, s7;
	s7 =	simm.s32 @!p0 $0x108  }
0x21: {  	s3 =	sadd.s32 s3, s9;
	s6 =	sadd.s32 @!p0 $0x88, s6;
	s7 =	simm.s32 @p2 $0x1082  }
0x22: {  	[simem:s7], [sflag:s8] =	dma.local @!p0 [hbm:s6], $0xF7A  }
0x23: {  	s9 =	sor.u32 $0xD0000000, s2;
	s6 =	simm.s32 $0x108;
	_ =	swait.ge @!p0 [sflag:s8], $0x0  }
0x24: {  	s3 =	sadd.s32 $0x88, s3;
	s6 =	simm.s32 @!p1 $0x1082;
	[sflag:s4] =	ssyncset.s32 $0xFFFFF086  }
0x25: {  	[simem:s6], [sflag:s4] =	dma.local [hbm:s3], $0xF7A  }
0x26: {  	[smem:$0x3F98] =	sst s1;
	(tag) =	ssettag s2;
	_ =	strace s9  }
0x27: {  	s1 =	sld [smem:$0x3FA8]  }
0x28: {  	s2 =	sld [smem:$0x3FA9]  }
0x29: {  	s4 =	sld [smem:$0x3FAB]  }
0x2a: {  	p0 =	seq.s32 s5, $0x0;
	s5 =	sld [smem:$0x3FAC]  }
0x2b: {  	s6 =	sld [smem:$0x3FAD]  }
0x2c: {  	s7 =	sld [smem:$0x3FAE]  }
0x2d: {  	s3 =	simm.s32 $0x108;
	s8 =	sld [smem:$0x3FAF]  }
0x2e: {  	s3 =	simm.s32 @!p0 $0x1082;
	s9 =	sld [smem:$0x3FB0]  }
0x2f: {  	lr =	sadd.s32 s0, s3;
	s0 =	sld [smem:$0x3FA7]  }
0x30: {  	s3 =	sld [smem:$0x3FAA]  }
0x31: {  	[smem:$0x3FB3] =	sst s10  }
0x32: {  	s10 =	sld [smem:$0x3FB1];
	_ =	sdelay $0x3  }
0x33: {  	p0 =	seq.s32 s10, $0x1;
	s10 =	sld [smem:$0x3FB3];
	_ =	sdelay $0x3  }
0x34: {  	[smem:$0x3FB3] =	sst s10  }
0x35: {  	s10 =	sld [smem:$0x3FB2];
	_ =	sdelay $0x3  }
0x36: {  	p1 =	seq.s32 s10, $0x1;
	s10 =	sld [smem:$0x3FB3];
	_ =	sdelay $0x3  }
0x37: {  	[smem:$0x3FB3] =	sst s10  }
0x38: {  	s10 =	sld [smem:$0x3FB4]  }
0x39: {  	_ = 	snop;
	(pc) =	sbr.ind lr, $3  }
0x3a: {  	_ = 	snop  }
0x3b: {  	_ = 	snop  }
0x3c: {  	p2 =	seq.s32 s10, $0x1;
	s10 =	sld [smem:$0x3FB3]  }
0x3d: {  	_ =	shalt  }
0x3e: {  	_ =	shalt  }
0x3f: {  	_ =	shalt  }
0x40: {  	_ =	shalt  }
0x41: {  	_ =	shalt  }
0x42: {  	_ =	shalt  }
0x43: {  	_ =	shalt  }
0x44: {  	_ =	shalt  }
0x45: {  	_ =	shalt  }
0x46: {  	_ =	shalt  }
0x47: {  	_ =	shalt  }
0x48: {  	_ =	shalt  }
0x49: {  	_ =	shalt  }
0x4a: {  	_ =	shalt  }
0x4b: {  	_ =	shalt  }
0x4c: {  	_ =	shalt  }
0x4d: {  	_ =	shalt  }
0x4e: {  	_ =	shalt  }
0x4f: {  	_ =	shalt  }
0x50: {  	_ =	shalt  }
0x51: {  	_ =	shalt  }
0x52: {  	_ =	shalt  }
0x53: {  	_ =	shalt  }
0x54: {  	_ =	shalt  }
0x55: {  	_ =	shalt  }
0x56: {  	_ =	shalt  }
0x57: {  	_ =	shalt  }
0x58: {  	_ =	shalt  }
0x59: {  	_ =	shalt  }
0x5a: {  	_ =	shalt  }
0x5b: {  	_ =	shalt  }
0x5c: {  	_ =	shalt  }
0x5d: {  	_ =	shalt  }
0x5e: {  	_ =	shalt  }
0x5f: {  	_ =	shalt  }
0x60: {  	_ =	shalt  }
0x61: {  	_ =	shalt  }
0x62: {  	_ =	shalt  }
0x63: {  	_ =	shalt  }
0x64: {  	_ =	shalt  }
0x65: {  	_ =	shalt  }
0x66: {  	_ =	shalt  }
0x67: {  	_ =	shalt  }
0x68: {  	_ =	shalt  }
0x69: {  	_ =	shalt  }
0x6a: {  	_ =	shalt  }
0x6b: {  	_ =	shalt  }
0x6c: {  	_ =	shalt  }
0x6d: {  	_ =	shalt  }
0x6e: {  	_ =	shalt  }
0x6f: {  	_ =	shalt  }
0x70: {  	_ =	shalt  }
0x71: {  	_ =	shalt  }
0x72: {  	_ =	shalt  }
0x73: {  	_ =	shalt  }
0x74: {  	_ =	shalt  }
0x75: {  	_ =	shalt  }
0x76: {  	_ =	shalt  }
0x77: {  	_ =	shalt  }
0x78: {  	_ =	shalt  }
0x79: {  	_ =	shalt  }
0x7a: {  	_ =	shalt  }
0x7b: {  	_ =	shalt  }
0x7c: {  	_ =	shalt  }
0x7d: {  	_ =	shalt  }
0x7e: {  	_ =	shalt  }
0x7f: {  	_ =	shalt  }
0x80: {  	_ =	shalt  }
0x81: {  	_ =	shalt  }
0x82: {  	_ =	shalt  }
0x83: {  	_ =	shalt  }
0x84: {  	_ =	shalt  }
0x85: {  	_ =	shalt  }
0x86: {  	_ =	shalt  }
0x87: {  	_ =	shalt  }
.Lfunc_end0:
.L_simem_size_0:
called_computation.1_lowered:
.L_overlay_start_0:
0x88: {  	s2 =	sld [smem:$0x3FD9]  }
0x89: {  	s3 =	sld [smem:$0x3FFE];
	_ =	sdelay $0x1  }
0x8a: {  	s1 =	srdreg.scid  }
0x8b: {  	s0 =	sand.u32 $0x1, s1  }
0x8c: {  	s16 =	sshll.u32 s0, $0xA;
	s2 =	sadd.s32 s3, s2  }
0x8d: {  	s2 =	sadd.s32 s2, s16  }
0x8e: {  	[smem:$0x3FBF] =	sst s2  }
0x8f: {  	_ = 	snop  }
0x90: {  	(tm) =	ssettm $0x1  }
0x91: {  	s17 =	sld [smem:$0x3FFB];
	_ =	sdelay $0x3  }
0x92: {  	_ =	strace s17  }
0x93: {  	s2 =	sld [smem:$0x3FFC];
	_ =	sdelay $0x3  }
0x94: {  	_ =	strace s2  }
0x95: {  	s2 =	sld [smem:$0x3FFD];
	_ =	sdelay $0x3  }
0x96: {  	_ =	strace s2  }
0x97: {  	_ =	strace $0x8FFFFFFF  }
0x98: {  	s18 =	sld [smem:$0x3FDB];
	_ =	sdelay $0x1  }
0x99: {  	s19 =	simm.s32 $_scs_section_size  }
0x9a: {  	s4 =	simm.s32 $_size__tile_overlayer_lowered;
	s5 =	simm.s32 $_tile_overlayer_lowered  }
0x9b: {  	s22 =	simm.s32 $0x1BFF;
	s21 =	sshll.u32 s5, $0x1;
	s2 =	sadd.s32 s19, s18  }
0x9c: {  	s6 =	simm.s32 $0x0;
	s20 =	sshll.u32 s4, $0x1;
	s4 =	sadd.s32 s21, s2  }
0x9d: {  	[timem:s6], [sflag:s22] =	dma.local [hbm:s4], s20  }
0x9e: {  	_ =	swait.ge [sflag:s22], s20  }
0x9f: {  	s3 =	ssub.s32 $0x0, s20;
	[sflag:s22] =	ssyncset.done $0x0  }
0xa0: {  	[sflag:s22] =	ssyncadd.s32 s3;
	_ =	sdelay $0x1  }
0xa1: {  	s23 =	simm.s32 $0x1B8B  }
0xa2: {  	_ =	swait.ge [sflag:s23], $0x1  }
0xa3: {  	[sflag:s23] =	ssyncset.done $0x0  }
0xa4: {  	s25 =	simm.s32 $0x1B8E;
	s24 =	sld [smem:$0x3FFE];
	[sflag:s23] =	ssyncadd.s32 $0xFFFFFFFF  }
0xa5: {  	s26 =	simm.s32 $execute0_lowered;
	[smem:$0x3FD2] =	sst s25  }
0xa6: {  	s4 =	sshll.u32 s26, $0x1;
	_ =	strace $0x80000049;
	[dreg:$0x1] =	wrdreg $0xFFFFFFFF  }
0xa7: {  	s28 =	simm.s32 $_size_execute0_lowered;
	s2 =	sadd.s32 s2, s4;
	[dreg:$0x0] =	wrdreg $0x0  }
0xa8: {  	s4 =	sshll.u32 s28, $0x1;
	[dreg:$0x2] =	wrdreg s2  }
0xa9: {  	[dreg:$0x3] =	wrdreg s4  }
0xaa: {  	[dreg:$0x4] =	wrdreg $0xC0  }
0xab: {  	_ =	task [dreg:s6], $0x5FFFF  }
0xac: {  	[dreg:$0x1] =	wrdreg $0xFFFFFFFF  }
0xad: {  	[dreg:$0x0] =	wrdreg $0x60  }
0xae: {  	[dreg:$0x2] =	wrdreg s24  }
0xaf: {  	[dreg:$0x3] =	wrdreg $0x9  }
0xb0: {  	_ =	task.clear_ibuf [dreg:s6], $0x4FFFF;
	_ =	strace $0x90000049  }
0xb1: {  	s29 =	simm.s32 $0x9;
	_ =	strace $0x8000004B  }
0xb2: {  	_ =	swait.ge [sflag:s29], $0x1  }
0xb3: {  	[sflag:s29] =	ssyncadd.s32 $0xFFFFFFFF  }
0xb4: {  	_ =	strace $0x9000004B  }
0xb5: {  	_ =	sfence  }
0xb6: {  	s30 =	sld [smem:$0x0];
	_ =	sdelay $0x2  }
0xb7: {  	s31 =	sshll.u32 s1, $0xD;
	s1 =	sshrl.u32 s1, $0x2  }
0xb8: {  	s3 =	sand.u32 $0x4000, s31;
	s1 =	sadd.s32 s1, s30  }
0xb9: {  	s0 =	sor.u32 s3, s0;
	s1 =	sshll.u32 s1, $0x11  }
0xba: {  	s0 =	sor.u32 s1, s0  }
0xbb: {  	s0 =	sadd.s32 $0x8F2B, s0  }
0xbc: {  	[sflag:s0] =	ssyncadd.remote.s32 $0x1  }
0xbd: {  	_ =	sfence.sel $0xFFFF  }
0xbe: {  	[dreg:$0x0] =	wrdreg $0xFFFFFFFF;
	(pc) =	sbr.abs _section_cstart, $3  }
0xbf: {  	[dreg:$0x1] =	wrdreg $0xFFFFFFFF  }
0xc0: {  	_ =	task.clear_ibuf [dreg:s6], $0x2FFFF;
	_ =	strace $0x9FFFFFFF  }
0xc1: {  	(tm) =	ssettm $0x7FFFFFFF  }
tec
execute0_lowered:
.L_overlay_start_1:
0x0: {  	(tag) =	ssettag $0x1  }
0x1: {  	s1 =	srdreg.scid  }
0x2: {  	s0 =	stileid.u32;
	s5 =	rddreg [dreg:$0x0];
	s10 =	simm.s32 $0x2780  }
0x3: {  	s11 =	simm.s32 $0xEF00;
	s12 =	simm.s32 $0x80;
	s13 =	simm.s32 $0x400  }
0x4: {  	s14 =	simm.s32 $0x0;
	s4 =	sand.u32 $0x1, s1;
	s2 =	sshll.u32 s0, $0x1  }
0x5: {  	s1 =	rddreg [dreg:$0x1];
	s7 =	sshrl.u32 s0, $0x2;
	s3 =	sor.u32 s4, s2  }
0x6: {  	s2 =	simm.s32 $0x0;
	s7 =	smul.u32 $0x50000, s7;
	s31 =	ssub.s32 $0x2, s4  }
0x7: {  	s4 =	sadd.s32 $0xC600, s5;
	s6 =	smul.u32 $0x1400, s3;
	s3 =	sshll.u32 s3, $0x7  }
0x8: {  	[smem:$0x7FF] =	sst s2;
	s9 =	sshrl.u32 s31, $0x1;
	s8 =	sand.u32 $0x380, s3  }
0x9: {  	_ =	strace $0x8000004A;
	s3 =	sadd.s32 $0x2800, s5;
	s7 =	sor.u32 s7, s8  }
0xa: {  	s6 =	sadd.s32 s6, s5;
	s8 =	ssub.s32 s31, s9;
	s7 =	sshrl.u32 s7, $0x3  }
0xb: {  	s9 =	simm.s32 $0x1;
	s7 =	sadd.s32 s7, s5;
	s5 =	sadd.s32 $0x53E400, s6  }
0xc: {  	v0 =	vimm.f32 $0.0e+00;
	s6 =	sadd.s32 $0x3E400, s7;
	s7 =	smax.u32 s8, $0x1;
	s8 =	simm.s32 $0x4F00  }
.LBB2_1:
0xd: {  	[tilespmem:s8], [sflag:$0x1] =	stream.linear.gather [hbm4b:s5+s2], $0xA000, $0x38;
	[tilespmem:$0x18F00] =	vst v63  }
0xe: {  	_ =	swait.ge [sflag:s9], $0xA000  }
0xf: {  	[sflag:s9] =	ssyncset.done $0x0  }
0x10: {  	s15 =	simm.s32 $0x0;
	[sflag:s9] =	ssyncadd.s32 $0xFFFF6000  }
.LBB2_2:
0x11: {  	p0 =	sne.s32 s15, $0x27FC0  }
.Ltmp0:
0x12: {  	_ = 	snop;
	(pc) =	sbr.rel @p0 .LBB2_2-.Ltmp0, $3  }
0x13: {  	_ =	sdelay $0x1  }
0x14: {  	s16 =	sshra.s32 s15, $0x2  }
0x15: {  	s15 =	sadd.s32 $0x40, s15;
	[tilespmem:s16+$0xEF00] =	vst v0  }
0x16: {  	s15 =	simm.s32 $0x0  }
.LBB2_4:
0x17: {  	s16 =	smul.u32 $0x4E2, s15;
	_ =	sdelay $0x1  }
0x18: {  	s17 =	sadd.s32 s3, s16  }
0x19: {  	[tilespmem:s2], [sflag:$0x1] =	stream.linear.gather [hbm4b:s17+s2], $0x2710, $0x38;
	[tilespmem:$0x18F00] =	vst v63  }
0x1a: {  	_ =	swait.ge [sflag:s9], $0x2710  }
0x1b: {  	[sflag:s9] =	ssyncset.done $0x0  }
0x1c: {  	s16 =	sadd.s32 s4, s16;
	[sflag:s9] =	ssyncadd.s32 $0xFFFFD8F0  }
0x1d: {  	[tilespmem:s10], [sflag:$0x1] =	stream.linear.gather [hbm4b:s16+s2], $0x2710, $0x38;
	[tilespmem:$0x18F00] =	vst v63  }
0x1e: {  	_ =	swait.ge [sflag:s9], $0x2710  }
0x1f: {  	[sflag:s9] =	ssyncset.done $0x0  }
0x20: {  	s31 =	simm.s32 $0x20;
	[sflag:s9] =	ssyncadd.s32 $0xFFFFD8F0  }
0x21: {  	v1 =	vld [tilespmem:s31+$0x10]  }
0x22: {  	v2 =	vld [tilespmem:s31+$0xFFFFFFF0];
	_ =	sdelay $0x1  }
0x23: {  	v3 =	vld [tilespmem:s31+$0xFFFFFFE0]  }
0x24: {  	s16 =	simm.s32 $0x27A0;
	v4 =	vld [tilespmem:s31+$0x0]  }
0x25: {  	v5 =	vld [tilespmem:s16+$0x10];
	v1 =	vshll.u32 v1, $0x2  }
0x26: {  	v6 =	vld [tilespmem:s16+$0xFFFFFFF0];
	v2 =	vshll.u32 v2, $0x2;
	_ =	sdelay $0x1  }
0x27: {  	v7 =	vld [tilespmem:s16+$0xFFFFFFE0];
	v3 =	vshll.u32 v3, $0x2  }
0x28: {  	v8 =	vld [tilespmem:s16+$0x0];
	v4 =	vshll.u32 v4, $0x2  }
0x29: {  	v5 =	vshll.u32 v5, $0x2;
	v9 =	vld.idx.msk [tilespmem:v1+s8+$0x0], $0xffff  }
0x2a: {  	v12 =	vshll.u32 v6, $0x2;
	v11 =	vld.idx.msk [tilespmem:v2+s8+$0x0], $0xffff  }
0x2b: {  	v10 =	vor.u32 $0x1, v1  }
0x2c: {  	v7 =	vshll.u32 v7, $0x2;
	v6 =	vld.idx.msk [tilespmem:v3+s8+$0x0], $0xffff  }
0x2d: {  	v14 =	vshll.u32 v8, $0x2;
	v8 =	vor.u32 $0x1, v3;
	v13 =	vld.idx.msk [tilespmem:v4+s8+$0x0], $0xffff  }
0x2e: {  	[tilespmem:v5+s11+$0x0] =	vst.idx.add.f32.msk $0xffff, v9  }
0x2f: {  	v9 =	vor.u32 $0x1, v2;
	[tilespmem:v12+s11+$0x0] =	vst.idx.add.f32.msk $0xffff, v11  }
0x30: {  	v11 =	vor.u32 $0x1, v5;
	v10 =	vld.idx.msk [tilespmem:v10+s8+$0x0], $0xffff  }
0x31: {  	v15 =	vor.u32 $0x1, v4;
	[tilespmem:v7+s11+$0x0] =	vst.idx.add.f32.msk $0xffff, v6  }
0x32: {  	v59 =	vor.u32 $0x1, v7;
	v8 =	vld.idx.msk [tilespmem:v8+s8+$0x0], $0xffff  }
0x33: {  	v6 =	vor.u32 $0x2, v1;
	[tilespmem:v14+s11+$0x0] =	vst.idx.add.f32.msk $0xffff, v13  }
0x34: {  	v17 =	vor.u32 $0x2, v3;
	v9 =	vld.idx.msk [tilespmem:v9+s8+$0x0], $0xffff  }
0x35: {  	v16 =	vor.u32 $0x1, v12;
	[tilespmem:v11+s11+$0x0] =	vst.idx.add.f32.msk $0xffff, v10  }
0x36: {  	v60 =	vor.u32 $0x1, v14;
	v11 =	vld.idx.msk [tilespmem:v15+s8+$0x0], $0xffff  }
0x37: {  	[tilespmem:v59+s11+$0x0] =	vst.idx.add.f32.msk $0xffff, v8;
	v8 =	vor.u32 $0x2, v2  }
0x38: {  	v10 =	vor.u32 $0x2, v5;
	v6 =	vld.idx.msk [tilespmem:v6+s8+$0x0], $0xffff  }
0x39: {  	v1 =	vor.u32 $0x3, v1;
	v13 =	vld.idx.msk [tilespmem:v17+s8+$0x0], $0xffff  }
0x3a: {  	v61 =	vor.u32 $0x2, v7;
	[tilespmem:v16+s11+$0x0] =	vst.idx.add.f32.msk $0xffff, v9  }
0x3b: {  	v3 =	vor.u32 $0x3, v3;
	[tilespmem:v60+s11+$0x0] =	vst.idx.add.f32.msk $0xffff, v11  }
0x3c: {  	v9 =	vor.u32 $0x2, v4;
	v63 =	vld.idx.msk [tilespmem:v8+s8+$0x0], $0xffff  }
0x3d: {  	v62 =	vor.u32 $0x2, v12;
	[tilespmem:v10+s11+$0x0] =	vst.idx.add.f32.msk $0xffff, v6  }
0x3e: {  	v11 =	vor.u32 $0x3, v5;
	v10 =	vld.idx.msk [tilespmem:v1+s8+$0x0], $0xffff  }
0x3f: {  	[tilespmem:v61+s11+$0x0] =	vst.idx.add.f32.msk $0xffff, v13  }
0x40: {  	v6 =	vld.idx.msk [tilespmem:v3+s8+$0x0], $0xffff  }
0x41: {  	v8 =	vld.idx.msk [tilespmem:v9+s8+$0x0], $0xffff  }
0x42: {  	v5 =	vor.u32 $0x3, v2;
	v2 =	vor.u32 $0x3, v7;
	v7 =	vor.u32 $0x2, v14;
	[tilespmem:v62+s11+$0x0] =	vst.idx.add.f32.msk $0xffff, v63  }
0x43: {  	s18 =	simm.s32 $0x60;
	s17 =	simm.s32 $0x0;
	v1 =	vor.u32 $0x3, v4;
	v3 =	vor.u32 $0x3, v12;
	v4 =	vor.u32 $0x3, v14;
	[tilespmem:v11+s11+$0x0] =	vst.idx.add.f32.msk $0xffff, v10  }
.LBB2_5:
0x44: {  	v9 =	vld [tilespmem:s18+$0x10];
	s17 =	sadd.s32 $0x4, s17  }
0x45: {  	v10 =	vld [tilespmem:s18+$0xFFFFFFF0];
	p0 =	slt.u32 s17, $0x26C  }
0x46: {  	v11 =	vld [tilespmem:s18+$0x0]  }
0x47: {  	v12 =	vld [tilespmem:s18+$0xFFFFFFE0]  }
0x48: {  	[tilespmem:v7+s11+$0x0] =	vst.idx.add.f32.msk $0xffff, v8  }
0x49: {  	s16 =	sadd.s32 $0x40, s16;
	v8 =	vshll.u32 v9, $0x2;
	v9 =	vld.idx.msk [tilespmem:v5+s8+$0x0], $0xffff  }
0x4a: {  	v7 =	vshll.u32 v10, $0x2;
	v10 =	vld [tilespmem:s16+$0x10]  }
0x4b: {  	v13 =	vld [tilespmem:s16+$0xFFFFFFE0];
	v14 =	vor.u32 $0x1, v7;
	v15 =	vor.u32 $0x2, v7;
	v11 =	vshll.u32 v11, $0x2  }
0x4c: {  	v12 =	vshll.u32 v12, $0x2;
	v16 =	vld [tilespmem:s16+$0xFFFFFFF0];
	v17 =	vor.u32 $0x1, v11;
	v18 =	vor.u32 $0x2, v11  }
0x4d: {  	v19 =	vor.u32 $0x1, v12;
	v20 =	vor.u32 $0x2, v12;
	v21 =	vor.u32 $0x3, v12;
	v22 =	vld [tilespmem:s16+$0x0]  }
0x4e: {  	v5 =	vor.u32 $0x3, v7;
	v23 =	vor.u32 $0x3, v11;
	v24 =	vld.idx.msk [tilespmem:v8+s8+$0x0], $0xffff  }
0x4f: {  	v25 =	vld.idx.msk [tilespmem:v7+s8+$0x0], $0xffff;
	v10 =	vshll.u32 v10, $0x2  }
0x50: {  	v26 =	vor.u32 $0x1, v8;
	v13 =	vshll.u32 v13, $0x2;
	v11 =	vld.idx.msk [tilespmem:v11+s8+$0x0], $0xffff  }
0x51: {  	v12 =	vld.idx.msk [tilespmem:v12+s8+$0x0], $0xffff;
	v27 =	vor.u32 $0x1, v13;
	v28 =	vor.u32 $0x2, v13;
	v16 =	vshll.u32 v16, $0x2  }
0x52: {  	v29 =	vor.u32 $0x1, v16;
	v30 =	vor.u32 $0x2, v16;
	v22 =	vshll.u32 v22, $0x2;
	v31 =	vld.idx.msk [tilespmem:v1+s8+$0x0], $0xffff;
	v1 =	vmovc v23  }
0x53: {  	v23 =	vor.u32 $0x1, v22;
	v7 =	vor.u32 $0x2, v22;
	[tilespmem:v2+s11+$0x0] =	vst.idx.add.f32.msk $0xffff, v6;
	v2 =	vor.u32 $0x3, v13  }
0x54: {  	v6 =	vor.u32 $0x3, v16;
	v32 =	vor.u32 $0x3, v22;
	[tilespmem:v10+s11+$0x0] =	vst.idx.add.f32.msk $0xffff, v24  }
0x55: {  	v24 =	vld.idx.msk [tilespmem:v26+s8+$0x0], $0xffff  }
0x56: {  	[tilespmem:v16+s11+$0x0] =	vst.idx.add.f32.msk $0xffff, v25;
	v16 =	vor.u32 $0x1, v10  }
0x57: {  	[tilespmem:v13+s11+$0x0] =	vst.idx.add.f32.msk $0xffff, v12;
	v12 =	vor.u32 $0x2, v8  }
0x58: {  	[tilespmem:v22+s11+$0x0] =	vst.idx.add.f32.msk $0xffff, v11  }
0x59: {  	v11 =	vld.idx.msk [tilespmem:v19+s8+$0x0], $0xffff  }
0x5a: {  	v13 =	vld.idx.msk [tilespmem:v14+s8+$0x0], $0xffff  }
0x5b: {  	[tilespmem:v16+s11+$0x0] =	vst.idx.add.f32.msk $0xffff, v24  }
0x5c: {  	v12 =	vld.idx.msk [tilespmem:v12+s8+$0x0], $0xffff  }
0x5d: {  	v16 =	vor.u32 $0x2, v10;
	v14 =	vld.idx.msk [tilespmem:v17+s8+$0x0], $0xffff  }
0x5e: {  	v8 =	vor.u32 $0x3, v8;
	[tilespmem:v3+s11+$0x0] =	vst.idx.add.f32.msk $0xffff, v9;
	v3 =	vmov v6  }
0x5f: {  	[tilespmem:v27+s11+$0x0] =	vst.idx.add.f32.msk $0xffff, v11  }
0x60: {  	[tilespmem:v29+s11+$0x0] =	vst.idx.add.f32.msk $0xffff, v13  }
0x61: {  	v6 =	vld.idx.msk [tilespmem:v20+s8+$0x0], $0xffff  }
0x62: {  	[tilespmem:v16+s11+$0x0] =	vst.idx.add.f32.msk $0xffff, v12  }
0x63: {  	v9 =	vld.idx.msk [tilespmem:v8+s8+$0x0], $0xffff  }
0x64: {  	v10 =	vor.u32 $0x3, v10;
	[tilespmem:v23+s11+$0x0] =	vst.idx.add.f32.msk $0xffff, v14  }
0x65: {  	v11 =	vld.idx.msk [tilespmem:v15+s8+$0x0], $0xffff  }
0x66: {  	v8 =	vld.idx.msk [tilespmem:v18+s8+$0x0], $0xffff  }
.Ltmp1:
0x67: {  	[tilespmem:v28+s11+$0x0] =	vst.idx.add.f32.msk $0xffff, v6;
	(pc) =	sbr.rel @p0 .LBB2_5-.Ltmp1, $4  }
0x68: {  	v6 =	vld.idx.msk [tilespmem:v21+s8+$0x0], $0xffff  }
0x69: {  	[tilespmem:v10+s11+$0x0] =	vst.idx.add.f32.msk $0xffff, v9  }
0x6a: {  	[tilespmem:v4+s11+$0x0] =	vst.idx.add.f32.msk $0xffff, v31;
	v4 =	vmov v32  }
0x6b: {  	s18 =	sadd.s32 $0x40, s18;
	[tilespmem:v30+s11+$0x0] =	vst.idx.add.f32.msk $0xffff, v11  }
0x6c: {  	_ =	sdelay $0x3  }
0x6d: {  	[tilespmem:v7+s11+$0x0] =	vst.idx.add.f32.msk $0xffff, v8  }
0x6e: {  	v5 =	vld.idx.msk [tilespmem:v5+s8+$0x0], $0xffff  }
0x6f: {  	v1 =	vld.idx.msk [tilespmem:v1+s8+$0x0], $0xffff;
	_ =	sdelay $0x2  }
0x70: {  	[tilespmem:v2+s11+$0x0] =	vst.idx.add.f32.msk $0xffff, v6  }
0x71: {  	[tilespmem:v3+s11+$0x0] =	vst.idx.add.f32.msk $0xffff, v5  }
0x72: {  	[tilespmem:v4+s11+$0x0] =	vst.idx.add.f32.msk $0xffff, v1  }
0x73: {  	v1 =	vld [tilespmem:$0x2700];
	_ =	sdelay $0x4  }
0x74: {  	v2 =	vld [tilespmem:$0x4E80];
	v1 =	vshll.u32 v1, $0x2;
	_ =	sdelay $0x4  }
0x75: {  	v2 =	vshll.u32 v2, $0x2;
	v3 =	vld.idx.msk [tilespmem:v1+s8+$0x0], $0xffff  }
0x76: {  	v60 =	vor.u32 $0x1, v1;
	_ =	sdelay $0x3  }
0x77: {  	[tilespmem:v2+s11+$0x0] =	vst.idx.add.f32.msk $0xffff, v3  }
0x78: {  	v61 =	vor.u32 $0x1, v2;
	v3 =	vld.idx.msk [tilespmem:v60+s8+$0x0], $0xffff  }
0x79: {  	v62 =	vor.u32 $0x2, v1;
	_ =	sdelay $0x3  }
0x7a: {  	[tilespmem:v61+s11+$0x0] =	vst.idx.add.f32.msk $0xffff, v3  }
0x7b: {  	v63 =	vor.u32 $0x2, v2;
	v3 =	vld.idx.msk [tilespmem:v62+s8+$0x0], $0xffff  }
0x7c: {  	v1 =	vor.u32 $0x3, v1;
	_ =	sdelay $0x3  }
0x7d: {  	s15 =	sadd.s32 $0x1, s15;
	[tilespmem:v63+s11+$0x0] =	vst.idx.add.f32.msk $0xffff, v3  }
0x7e: {  	p0 =	sne.s32 s15, $0x20;
	v2 =	vor.u32 $0x3, v2;
	v1 =	vld.idx.msk [tilespmem:v1+s8+$0x0], $0xffff  }
.Ltmp2:
0x7f: {  	_ = 	snop;
	(pc) =	sbr.rel @p0 .LBB2_4-.Ltmp2, $2  }
0x80: {  	_ =	sdelay $0x2  }
0x81: {  	[tilespmem:v2+s11+$0x0] =	vst.idx.add.f32.msk $0xffff, v1  }
0x82: {  	s14 =	sadd.s32 $0x1, s14  }
0x83: {  	p0 =	sne.s32 s14, s7  }
.Ltmp3:
0x84: {  	_ = 	snop;
	(pc) =	sbr.rel @p0 .LBB2_1-.Ltmp3, $4  }
0x85: {  	[hbm4b:s6+s12] =	stream.strided.scatter [tilespmem:s11], [sflag:$0x1], $0xA000, s13, s12, $0x38;
	[tilespmem:$0x18F00] =	vst v63  }
0x86: {  	_ =	swait.ge [sflag:s9], $0xA000  }
0x87: {  	[sflag:s9] =	ssyncset.done $0x0  }
0x88: {  	[sflag:s9] =	ssyncadd.s32 $0xFFFF6000  }
0x89: {  	_ =	sfence.sel $0x180000  }
0x8a: {  	[bflag:$0x0] =	sbarrier.arrive $0xFFFF  }
0x8b: {  	p0 =	sne.s32 s0, $0x0;
	_ =	strace $0x9000004A  }
0x8c: {  	s0 =	sadd.s32 @!p0 $0x100000, s1;
	[bflag:$0x2] =	sbarrier.arrive $0xFFFF  }
0x8d: {  	[sflag:s0] =	ssyncadd.tile.s32 @!p0 $0x1;
	_ =	shalt  }
.Lfunc_end2:
_tile_overlayer_lowered:
.L_overlay_start_2:
0x8e: {  	(tag) =	ssettag $0x2  }
0x8f: {  	s0 =	rddreg [dreg:$0x0];
	s2 =	stileid.u32  }
0x90: {  	s1 =	rddreg [dreg:$0x1];
	p0 =	sne.s32 s2, $0x0  }
0x91: {  	s3 =	rddreg [dreg:$0x2];
	[bflag:$0x3] =	sbarrier.arrive $0xFFFF;
	s2 =	simm.s32 @!p0 $0x1C01  }
0x92: {  	[timem:s3], [sflag:s2] =	dma.local @!p0 [hbm:s0], s1  }
0x93: {  	s0 =	simm.s32 @!p0 $0x1  }
0x94: {  	_ =	swait.ge @!p0 [sflag:s0], s1  }
0x95: {  	s1 =	ssub.s32 @!p0 $0x0, s1;
	[sflag:s0] =	ssyncset.done @!p0 $0x0  }
0x96: {  	[sflag:s0] =	ssyncadd.s32 @!p0 s1  }
0x97: {  	[bflag:$0x3] =	sbarrier.arrive $0xFFFF  }
0x98: {  	_ =	shalt  }

// kernel: kernel.14.cloned.1.call-start
scs
__scs_entry_jumppad:
0x0: {  	(pc) =	sbr.rel $0x88, $3  }
0x1: {  	(tag) =	ssettag $0x0;
	lr =	simm.s32 $0x1  }
0x2: {  	[smem:$0x3F98] =	sst lr;
	_ =	strace $0xD0000000  }
0x3: {  	_ = 	snop  }
0x4: {  	_ = 	snop  }
0x5: {  	_ = 	snop  }
0x6: {  	_ = 	snop  }
0x7: {  	_ = 	snop  }
__scs_overlays_trampoline_lowered:
0x8: {  	[smem:$0x3FA7] =	sst s0  }
0x9: {  	[smem:$0x3FA8] =	sst s1  }
0xa: {  	[smem:$0x3FA9] =	sst s2  }
0xb: {  	[smem:$0x3FAA] =	sst s3  }
0xc: {  	[smem:$0x3FAB] =	sst s4  }
0xd: {  	[smem:$0x3FAC] =	sst s5  }
0xe: {  	[smem:$0x3FAD] =	sst s6  }
0xf: {  	[smem:$0x3FAE] =	sst s7  }
0x10: {  	[smem:$0x3FAF] =	sst s8  }
0x11: {  	[smem:$0x3FB0] =	sst s9;
	s0 =	simm.s32 @!p0 $0x0  }
0x12: {  	s1 =	sld [smem:$0x3F96];
	s0 =	simm.s32 @p0 $0x1  }
0x13: {  	[smem:$0x3FB1] =	sst s0;
	s0 =	simm.s32 @!p1 $0x0  }
0x14: {  	s2 =	sld [smem:$0x3F95];
	s0 =	simm.s32 @p1 $0x1  }
0x15: {  	[smem:$0x3FB2] =	sst s0;
	s0 =	simm.s32 @!p2 $0x0  }
0x16: {  	s3 =	sld [smem:$0x3FDB];
	s0 =	simm.s32 @p2 $0x1  }
0x17: {  	s4 =	simm.s32 $0x1BF5;
	[smem:$0x3FB4] =	sst s0  }
0x18: {  	s0 =	sld [smem:$0x3F97];
	_ =	swait.ge [sflag:s4], $0x0  }
0x19: {  	s7 =	sld [smem:$0x3F98]  }
0x1a: {  	s8 =	sadd.s32 $0xFFFFE003, lr  }
0x1b: {  	s9 =	sadd.s32 $0xFFFFFEF7, lr;
	s5 =	simm.s32 $0xFFFFFFFF;
	p2 =	slt.u32 s8, $0xFFFFF086  }
0x1c: {  	p1 =	slt.u32 s9, $0xF7A;
	s5 =	simm.s32 @!p2 $0x0  }
0x1d: {  	s5 =	simm.s32 @p1 $0x1;
	p0 =	seq.s32 s7, s2  }
0x1e: {  	s7 =	smul.u32 @!p0 $0xF7A, s2;
	p2 =	seq.s32 @!p0 s5, $0x0  }
0x1f: {  	s9 =	smul.u32 $0xF7A, s1;
	s8 =	simm.s32 @!p0 $0x1BF5;
	p2 =	por !p2, p0  }
0x20: {  	[sflag:s8] =	ssyncset.s32 @!p0 $0xFFFFF086;
	s6 =	sadd.s32 @!p0 s3, s7;
	s7 =	simm.s32 @!p0 $0x108  }
0x21: {  	s3 =	sadd.s32 s3, s9;
	s6 =	sadd.s32 @!p0 $0x88, s6;
	s7 =	simm.s32 @p2 $0x1082  }
0x22: {  	[simem:s7], [sflag:s8] =	dma.local @!p0 [hbm:s6], $0xF7A  }
0x23: {  	s9 =	sor.u32 $0xD0000000, s2;
	s6 =	simm.s32 $0x108;
	_ =	swait.ge @!p0 [sflag:s8], $0x0  }
0x24: {  	s3 =	sadd.s32 $0x88, s3;
	s6 =	simm.s32 @!p1 $0x1082;
	[sflag:s4] =	ssyncset.s32 $0xFFFFF086  }
0x25: {  	[simem:s6], [sflag:s4] =	dma.local [hbm:s3], $0xF7A  }
0x26: {  	[smem:$0x3F98] =	sst s1;
	(tag) =	ssettag s2;
	_ =	strace s9  }
0x27: {  	s1 =	sld [smem:$0x3FA8]  }
0x28: {  	s2 =	sld [smem:$0x3FA9]  }
0x29: {  	s4 =	sld [smem:$0x3FAB]  }
0x2a: {  	p0 =	seq.s32 s5, $0x0;
	s5 =	sld [smem:$0x3FAC]  }
0x2b: {  	s6 =	sld [smem:$0x3FAD]  }
0x2c: {  	s7 =	sld [smem:$0x3FAE]  }
0x2d: {  	s3 =	simm.s32 $0x108;
	s8 =	sld [smem:$0x3FAF]  }
0x2e: {  	s3 =	simm.s32 @!p0 $0x1082;
	s9 =	sld [smem:$0x3FB0]  }
0x2f: {  	lr =	sadd.s32 s0, s3;
	s0 =	sld [smem:$0x3FA7]  }
0x30: {  	s3 =	sld [smem:$0x3FAA]  }
0x31: {  	[smem:$0x3FB3] =	sst s10  }
0x32: {  	s10 =	sld [smem:$0x3FB1];
	_ =	sdelay $0x3  }
0x33: {  	p0 =	seq.s32 s10, $0x1;
	s10 =	sld [smem:$0x3FB3];
	_ =	sdelay $0x3  }
0x34: {  	[smem:$0x3FB3] =	sst s10  }
0x35: {  	s10 =	sld [smem:$0x3FB2];
	_ =	sdelay $0x3  }
0x36: {  	p1 =	seq.s32 s10, $0x1;
	s10 =	sld [smem:$0x3FB3];
	_ =	sdelay $0x3  }
0x37: {  	[smem:$0x3FB3] =	sst s10  }
0x38: {  	s10 =	sld [smem:$0x3FB4]  }
0x39: {  	_ = 	snop;
	(pc) =	sbr.ind lr, $3  }
0x3a: {  	_ = 	snop  }
0x3b: {  	_ = 	snop  }
0x3c: {  	p2 =	seq.s32 s10, $0x1;
	s10 =	sld [smem:$0x3FB3]  }
0x3d: {  	_ =	shalt  }
0x3e: {  	_ =	shalt  }
0x3f: {  	_ =	shalt  }
0x40: {  	_ =	shalt  }
0x41: {  	_ =	shalt  }
0x42: {  	_ =	shalt  }
0x43: {  	_ =	shalt  }
0x44: {  	_ =	shalt  }
0x45: {  	_ =	shalt  }
0x46: {  	_ =	shalt  }
0x47: {  	_ =	shalt  }
0x48: {  	_ =	shalt  }
0x49: {  	_ =	shalt  }
0x4a: {  	_ =	shalt  }
0x4b: {  	_ =	shalt  }
0x4c: {  	_ =	shalt  }
0x4d: {  	_ =	shalt  }
0x4e: {  	_ =	shalt  }
0x4f: {  	_ =	shalt  }
0x50: {  	_ =	shalt  }
0x51: {  	_ =	shalt  }
0x52: {  	_ =	shalt  }
0x53: {  	_ =	shalt  }
0x54: {  	_ =	shalt  }
0x55: {  	_ =	shalt  }
0x56: {  	_ =	shalt  }
0x57: {  	_ =	shalt  }
0x58: {  	_ =	shalt  }
0x59: {  	_ =	shalt  }
0x5a: {  	_ =	shalt  }
0x5b: {  	_ =	shalt  }
0x5c: {  	_ =	shalt  }
0x5d: {  	_ =	shalt  }
0x5e: {  	_ =	shalt  }
0x5f: {  	_ =	shalt  }
0x60: {  	_ =	shalt  }
0x61: {  	_ =	shalt  }
0x62: {  	_ =	shalt  }
0x63: {  	_ =	shalt  }
0x64: {  	_ =	shalt  }
0x65: {  	_ =	shalt  }
0x66: {  	_ =	shalt  }
0x67: {  	_ =	shalt  }
0x68: {  	_ =	shalt  }
0x69: {  	_ =	shalt  }
0x6a: {  	_ =	shalt  }
0x6b: {  	_ =	shalt  }
0x6c: {  	_ =	shalt  }
0x6d: {  	_ =	shalt  }
0x6e: {  	_ =	shalt  }
0x6f: {  	_ =	shalt  }
0x70: {  	_ =	shalt  }
0x71: {  	_ =	shalt  }
0x72: {  	_ =	shalt  }
0x73: {  	_ =	shalt  }
0x74: {  	_ =	shalt  }
0x75: {  	_ =	shalt  }
0x76: {  	_ =	shalt  }
0x77: {  	_ =	shalt  }
0x78: {  	_ =	shalt  }
0x79: {  	_ =	shalt  }
0x7a: {  	_ =	shalt  }
0x7b: {  	_ =	shalt  }
0x7c: {  	_ =	shalt  }
0x7d: {  	_ =	shalt  }
0x7e: {  	_ =	shalt  }
0x7f: {  	_ =	shalt  }
0x80: {  	_ =	shalt  }
0x81: {  	_ =	shalt  }
0x82: {  	_ =	shalt  }
0x83: {  	_ =	shalt  }
0x84: {  	_ =	shalt  }
0x85: {  	_ =	shalt  }
0x86: {  	_ =	shalt  }
0x87: {  	_ =	shalt  }
.Lfunc_end0:
.L_simem_size_0:
called_computation.2_lowered:
.L_overlay_start_0:
0x88: {  	s2 =	sld [smem:$0x3FD9]  }
0x89: {  	s3 =	sld [smem:$0x3FFE];
	_ =	sdelay $0x1  }
0x8a: {  	s1 =	srdreg.scid  }
0x8b: {  	s0 =	sand.u32 $0x1, s1  }
0x8c: {  	s16 =	sshll.u32 s0, $0xA;
	s2 =	sadd.s32 s3, s2  }
0x8d: {  	s2 =	sadd.s32 s2, s16  }
0x8e: {  	[smem:$0x3FBF] =	sst s2  }
0x8f: {  	_ = 	snop  }
0x90: {  	(tm) =	ssettm $0x1  }
0x91: {  	s17 =	sld [smem:$0x3FFB];
	_ =	sdelay $0x3  }
0x92: {  	_ =	strace s17  }
0x93: {  	s2 =	sld [smem:$0x3FFC];
	_ =	sdelay $0x3  }
0x94: {  	_ =	strace s2  }
0x95: {  	s2 =	sld [smem:$0x3FFD];
	_ =	sdelay $0x3  }
0x96: {  	_ =	strace s2  }
0x97: {  	_ =	strace $0x8FFFFFFF  }
0x98: {  	s18 =	sld [smem:$0x3FDB];
	_ =	sdelay $0x1  }
0x99: {  	s19 =	simm.s32 $_scs_section_size  }
0x9a: {  	s4 =	simm.s32 $_size__tile_overlayer_lowered;
	s5 =	simm.s32 $_tile_overlayer_lowered  }
0x9b: {  	s22 =	simm.s32 $0x1BFF;
	s21 =	sshll.u32 s5, $0x1;
	s2 =	sadd.s32 s19, s18  }
0x9c: {  	s6 =	simm.s32 $0x0;
	s20 =	sshll.u32 s4, $0x1;
	s4 =	sadd.s32 s21, s2  }
0x9d: {  	[timem:s6], [sflag:s22] =	dma.local [hbm:s4], s20  }
0x9e: {  	_ =	swait.ge [sflag:s22], s20  }
0x9f: {  	s3 =	ssub.s32 $0x0, s20;
	[sflag:s22] =	ssyncset.done $0x0  }
0xa0: {  	[sflag:s22] =	ssyncadd.s32 s3;
	_ =	sdelay $0x1  }
0xa1: {  	s23 =	simm.s32 $0x1B8B  }
0xa2: {  	_ =	swait.ge [sflag:s23], $0x1  }
0xa3: {  	[sflag:s23] =	ssyncset.done $0x0  }
0xa4: {  	s25 =	simm.s32 $0x1B8E;
	s24 =	sld [smem:$0x3FFE];
	[sflag:s23] =	ssyncadd.s32 $0xFFFFFFFF  }
0xa5: {  	s26 =	simm.s32 $execute0_lowered;
	[smem:$0x3FD2] =	sst s25  }
0xa6: {  	s4 =	sshll.u32 s26, $0x1;
	_ =	strace $0x8000004C;
	[dreg:$0x1] =	wrdreg $0xFFFFFFFF  }
0xa7: {  	s28 =	simm.s32 $_size_execute0_lowered;
	s2 =	sadd.s32 s2, s4;
	[dreg:$0x0] =	wrdreg $0x0  }
0xa8: {  	s4 =	sshll.u32 s28, $0x1;
	[dreg:$0x2] =	wrdreg s2  }
0xa9: {  	[dreg:$0x3] =	wrdreg s4  }
0xaa: {  	[dreg:$0x4] =	wrdreg $0xC0  }
0xab: {  	_ =	task [dreg:s6], $0x5FFFF  }
0xac: {  	[dreg:$0x1] =	wrdreg $0xFFFFFFFF  }
0xad: {  	[dreg:$0x0] =	wrdreg $0x60  }
0xae: {  	[dreg:$0x2] =	wrdreg s24  }
0xaf: {  	[dreg:$0x3] =	wrdreg $0x9  }
0xb0: {  	_ =	task.clear_ibuf [dreg:s6], $0x4FFFF;
	_ =	strace $0x9000004C  }
0xb1: {  	s29 =	simm.s32 $0x9;
	_ =	strace $0x8000004E  }
0xb2: {  	_ =	swait.ge [sflag:s29], $0x1  }
0xb3: {  	[sflag:s29] =	ssyncadd.s32 $0xFFFFFFFF  }
0xb4: {  	_ =	strace $0x9000004E  }
0xb5: {  	_ =	sfence  }
0xb6: {  	s30 =	sld [smem:$0x0];
	_ =	sdelay $0x2  }
0xb7: {  	s31 =	sshll.u32 s1, $0xD;
	s1 =	sshrl.u32 s1, $0x2  }
0xb8: {  	s3 =	sand.u32 $0x4000, s31;
	s1 =	sadd.s32 s1, s30  }
0xb9: {  	s0 =	sor.u32 s3, s0;
	s1 =	sshll.u32 s1, $0x11  }
0xba: {  	s0 =	sor.u32 s1, s0  }
0xbb: {  	s0 =	sadd.s32 $0x8F2B, s0  }
0xbc: {  	[sflag:s0] =	ssyncadd.remote.s32 $0x1  }
0xbd: {  	_ =	sfence.sel $0xFFFF  }
0xbe: {  	[dreg:$0x0] =	wrdreg $0xFFFFFFFF;
	(pc) =	sbr.abs _section_cstart, $3  }
0xbf: {  	[dreg:$0x1] =	wrdreg $0xFFFFFFFF  }
0xc0: {  	_ =	task.clear_ibuf [dreg:s6], $0x2FFFF;
	_ =	strace $0x9FFFFFFF  }
0xc1: {  	(tm) =	ssettm $0x7FFFFFFF  }
tec
execute0_lowered:
.L_overlay_start_1:
0x0: {  	(tag) =	ssettag $0x1  }
0x1: {  	s1 =	srdreg.scid  }
0x2: {  	s0 =	stileid.u32;
	s5 =	rddreg [dreg:$0x0];
	s10 =	simm.s32 $0x2780  }
0x3: {  	s11 =	simm.s32 $0xEF00;
	s12 =	simm.s32 $0x80;
	s13 =	simm.s32 $0x400  }
0x4: {  	s14 =	simm.s32 $0x0;
	s4 =	sand.u32 $0x1, s1;
	s2 =	sshll.u32 s0, $0x1  }
0x5: {  	s1 =	rddreg [dreg:$0x1];
	s7 =	sshrl.u32 s0, $0x2;
	s3 =	sor.u32 s4, s2  }
0x6: {  	s2 =	simm.s32 $0x0;
	s7 =	smul.u32 $0x50000, s7;
	s31 =	ssub.s32 $0x2, s4  }
0x7: {  	s4 =	sadd.s32 $0xC600, s5;
	s6 =	smul.u32 $0x1400, s3;
	s3 =	sshll.u32 s3, $0x7  }
0x8: {  	[smem:$0x7FF] =	sst s2;
	s9 =	sshrl.u32 s31, $0x1;
	s8 =	sand.u32 $0x380, s3  }
0x9: {  	_ =	strace $0x8000004D;
	s3 =	sadd.s32 $0x2800, s5;
	s7 =	sor.u32 s7, s8  }
0xa: {  	s6 =	sadd.s32 s6, s5;
	s8 =	ssub.s32 s31, s9;
	s7 =	sshrl.u32 s7, $0x3  }
0xb: {  	s9 =	simm.s32 $0x1;
	s7 =	sadd.s32 s7, s5;
	s5 =	sadd.s32 $0x53E400, s6  }
0xc: {  	v0 =	vimm.f32 $0.0e+00;
	s6 =	sadd.s32 $0x3E400, s7;
	s7 =	smax.u32 s8, $0x1;
	s8 =	simm.s32 $0x4F00  }
.LBB2_1:
0xd: {  	[tilespmem:s8], [sflag:$0x1] =	stream.linear.gather [hbm4b:s5+s2], $0xA000, $0x38;
	[tilespmem:$0x18F00] =	vst v63  }
0xe: {  	_ =	swait.ge [sflag:s9], $0xA000  }
0xf: {  	[sflag:s9] =	ssyncset.done $0x0  }
0x10: {  	s15 =	simm.s32 $0x0;
	[sflag:s9] =	ssyncadd.s32 $0xFFFF6000  }
.LBB2_2:
0x11: {  	p0 =	sne.s32 s15, $0x27FC0  }
.Ltmp0:
0x12: {  	_ = 	snop;
	(pc) =	sbr.rel @p0 .LBB2_2-.Ltmp0, $3  }
0x13: {  	_ =	sdelay $0x1  }
0x14: {  	s16 =	sshra.s32 s15, $0x2  }
0x15: {  	s15 =	sadd.s32 $0x40, s15;
	[tilespmem:s16+$0xEF00] =	vst v0  }
0x16: {  	s15 =	simm.s32 $0x0  }
.LBB2_4:
0x17: {  	s16 =	smul.u32 $0x4E2, s15;
	_ =	sdelay $0x1  }
0x18: {  	s17 =	sadd.s32 s3, s16  }
0x19: {  	[tilespmem:s2], [sflag:$0x1] =	stream.linear.gather [hbm4b:s17+s2], $0x2710, $0x38;
	[tilespmem:$0x18F00] =	vst v63  }
0x1a: {  	_ =	swait.ge [sflag:s9], $0x2710  }
0x1b: {  	[sflag:s9] =	ssyncset.done $0x0  }
0x1c: {  	s16 =	sadd.s32 s4, s16;
	[sflag:s9] =	ssyncadd.s32 $0xFFFFD8F0  }
0x1d: {  	[tilespmem:s10], [sflag:$0x1] =	stream.linear.gather [hbm4b:s16+s2], $0x2710, $0x38;
	[tilespmem:$0x18F00] =	vst v63  }
0x1e: {  	_ =	swait.ge [sflag:s9], $0x2710  }
0x1f: {  	[sflag:s9] =	ssyncset.done $0x0  }
0x20: {  	s31 =	simm.s32 $0x20;
	[sflag:s9] =	ssyncadd.s32 $0xFFFFD8F0  }
0x21: {  	v1 =	vld [tilespmem:s31+$0x10]  }
0x22: {  	v2 =	vld [tilespmem:s31+$0xFFFFFFF0];
	_ =	sdelay $0x1  }
0x23: {  	v3 =	vld [tilespmem:s31+$0xFFFFFFE0]  }
0x24: {  	s16 =	simm.s32 $0x27A0;
	v4 =	vld [tilespmem:s31+$0x0]  }
0x25: {  	v5 =	vld [tilespmem:s16+$0x10];
	v1 =	vshll.u32 v1, $0x2  }
0x26: {  	v6 =	vld [tilespmem:s16+$0xFFFFFFF0];
	v2 =	vshll.u32 v2, $0x2;
	_ =	sdelay $0x1  }
0x27: {  	v7 =	vld [tilespmem:s16+$0xFFFFFFE0];
	v3 =	vshll.u32 v3, $0x2  }
0x28: {  	v8 =	vld [tilespmem:s16+$0x0];
	v4 =	vshll.u32 v4, $0x2  }
0x29: {  	v5 =	vshll.u32 v5, $0x2;
	v9 =	vld.idx.msk [tilespmem:v1+s8+$0x0], $0xffff  }
0x2a: {  	v12 =	vshll.u32 v6, $0x2;
	v11 =	vld.idx.msk [tilespmem:v2+s8+$0x0], $0xffff  }
0x2b: {  	v10 =	vor.u32 $0x1, v1  }
0x2c: {  	v7 =	vshll.u32 v7, $0x2;
	v6 =	vld.idx.msk [tilespmem:v3+s8+$0x0], $0xffff  }
0x2d: {  	v14 =	vshll.u32 v8, $0x2;
	v8 =	vor.u32 $0x1, v3;
	v13 =	vld.idx.msk [tilespmem:v4+s8+$0x0], $0xffff  }
0x2e: {  	[tilespmem:v5+s11+$0x0] =	vst.idx.add.f32.msk $0xffff, v9  }
0x2f: {  	v9 =	vor.u32 $0x1, v2;
	[tilespmem:v12+s11+$0x0] =	vst.idx.add.f32.msk $0xffff, v11  }
0x30: {  	v11 =	vor.u32 $0x1, v5;
	v10 =	vld.idx.msk [tilespmem:v10+s8+$0x0], $0xffff  }
0x31: {  	v15 =	vor.u32 $0x1, v4;
	[tilespmem:v7+s11+$0x0] =	vst.idx.add.f32.msk $0xffff, v6  }
0x32: {  	v59 =	vor.u32 $0x1, v7;
	v8 =	vld.idx.msk [tilespmem:v8+s8+$0x0], $0xffff  }
0x33: {  	v6 =	vor.u32 $0x2, v1;
	[tilespmem:v14+s11+$0x0] =	vst.idx.add.f32.msk $0xffff, v13  }
0x34: {  	v17 =	vor.u32 $0x2, v3;
	v9 =	vld.idx.msk [tilespmem:v9+s8+$0x0], $0xffff  }
0x35: {  	v16 =	vor.u32 $0x1, v12;
	[tilespmem:v11+s11+$0x0] =	vst.idx.add.f32.msk $0xffff, v10  }
0x36: {  	v60 =	vor.u32 $0x1, v14;
	v11 =	vld.idx.msk [tilespmem:v15+s8+$0x0], $0xffff  }
0x37: {  	[tilespmem:v59+s11+$0x0] =	vst.idx.add.f32.msk $0xffff, v8;
	v8 =	vor.u32 $0x2, v2  }
0x38: {  	v10 =	vor.u32 $0x2, v5;
	v6 =	vld.idx.msk [tilespmem:v6+s8+$0x0], $0xffff  }
0x39: {  	v1 =	vor.u32 $0x3, v1;
	v13 =	vld.idx.msk [tilespmem:v17+s8+$0x0], $0xffff  }
0x3a: {  	v61 =	vor.u32 $0x2, v7;
	[tilespmem:v16+s11+$0x0] =	vst.idx.add.f32.msk $0xffff, v9  }
0x3b: {  	v3 =	vor.u32 $0x3, v3;
	[tilespmem:v60+s11+$0x0] =	vst.idx.add.f32.msk $0xffff, v11  }
0x3c: {  	v9 =	vor.u32 $0x2, v4;
	v63 =	vld.idx.msk [tilespmem:v8+s8+$0x0], $0xffff  }
0x3d: {  	v62 =	vor.u32 $0x2, v12;
	[tilespmem:v10+s11+$0x0] =	vst.idx.add.f32.msk $0xffff, v6  }
0x3e: {  	v11 =	vor.u32 $0x3, v5;
	v10 =	vld.idx.msk [tilespmem:v1+s8+$0x0], $0xffff  }
0x3f: {  	[tilespmem:v61+s11+$0x0] =	vst.idx.add.f32.msk $0xffff, v13  }
0x40: {  	v6 =	vld.idx.msk [tilespmem:v3+s8+$0x0], $0xffff  }
0x41: {  	v8 =	vld.idx.msk [tilespmem:v9+s8+$0x0], $0xffff  }
0x42: {  	v5 =	vor.u32 $0x3, v2;
	v2 =	vor.u32 $0x3, v7;
	v7 =	vor.u32 $0x2, v14;
	[tilespmem:v62+s11+$0x0] =	vst.idx.add.f32.msk $0xffff, v63  }
0x43: {  	s18 =	simm.s32 $0x60;
	s17 =	simm.s32 $0x0;
	v1 =	vor.u32 $0x3, v4;
	v3 =	vor.u32 $0x3, v12;
	v4 =	vor.u32 $0x3, v14;
	[tilespmem:v11+s11+$0x0] =	vst.idx.add.f32.msk $0xffff, v10  }
.LBB2_5:
0x44: {  	v9 =	vld [tilespmem:s18+$0x10];
	s17 =	sadd.s32 $0x4, s17  }
0x45: {  	v10 =	vld [tilespmem:s18+$0xFFFFFFF0];
	p0 =	slt.u32 s17, $0x26C  }
0x46: {  	v11 =	vld [tilespmem:s18+$0x0]  }
0x47: {  	v12 =	vld [tilespmem:s18+$0xFFFFFFE0]  }
0x48: {  	[tilespmem:v7+s11+$0x0] =	vst.idx.add.f32.msk $0xffff, v8  }
0x49: {  	s16 =	sadd.s32 $0x40, s16;
	v8 =	vshll.u32 v9, $0x2;
	v9 =	vld.idx.msk [tilespmem:v5+s8+$0x0], $0xffff  }
0x4a: {  	v7 =	vshll.u32 v10, $0x2;
	v10 =	vld [tilespmem:s16+$0x10]  }
0x4b: {  	v13 =	vld [tilespmem:s16+$0xFFFFFFE0];
	v14 =	vor.u32 $0x1, v7;
	v15 =	vor.u32 $0x2, v7;
	v11 =	vshll.u32 v11, $0x2  }
0x4c: {  	v12 =	vshll.u32 v12, $0x2;
	v16 =	vld [tilespmem:s16+$0xFFFFFFF0];
	v17 =	vor.u32 $0x1, v11;
	v18 =	vor.u32 $0x2, v11  }
0x4d: {  	v19 =	vor.u32 $0x1, v12;
	v20 =	vor.u32 $0x2, v12;
	v21 =	vor.u32 $0x3, v12;
	v22 =	vld [tilespmem:s16+$0x0]  }
0x4e: {  	v5 =	vor.u32 $0x3, v7;
	v23 =	vor.u32 $0x3, v11;
	v24 =	vld.idx.msk [tilespmem:v8+s8+$0x0], $0xffff  }
0x4f: {  	v25 =	vld.idx.msk [tilespmem:v7+s8+$0x0], $0xffff;
	v10 =	vshll.u32 v10, $0x2  }
0x50: {  	v26 =	vor.u32 $0x1, v8;
	v13 =	vshll.u32 v13, $0x2;
	v11 =	vld.idx.msk [tilespmem:v11+s8+$0x0], $0xffff  }
0x51: {  	v12 =	vld.idx.msk [tilespmem:v12+s8+$0x0], $0xffff;
	v27 =	vor.u32 $0x1, v13;
	v28 =	vor.u32 $0x2, v13;
	v16 =	vshll.u32 v16, $0x2  }
0x52: {  	v29 =	vor.u32 $0x1, v16;
	v30 =	vor.u32 $0x2, v16;
	v22 =	vshll.u32 v22, $0x2;
	v31 =	vld.idx.msk [tilespmem:v1+s8+$0x0], $0xffff;
	v1 =	vmovc v23  }
0x53: {  	v23 =	vor.u32 $0x1, v22;
	v7 =	vor.u32 $0x2, v22;
	[tilespmem:v2+s11+$0x0] =	vst.idx.add.f32.msk $0xffff, v6;
	v2 =	vor.u32 $0x3, v13  }
0x54: {  	v6 =	vor.u32 $0x3, v16;
	v32 =	vor.u32 $0x3, v22;
	[tilespmem:v10+s11+$0x0] =	vst.idx.add.f32.msk $0xffff, v24  }
0x55: {  	v24 =	vld.idx.msk [tilespmem:v26+s8+$0x0], $0xffff  }
0x56: {  	[tilespmem:v16+s11+$0x0] =	vst.idx.add.f32.msk $0xffff, v25;
	v16 =	vor.u32 $0x1, v10  }
0x57: {  	[tilespmem:v13+s11+$0x0] =	vst.idx.add.f32.msk $0xffff, v12;
	v12 =	vor.u32 $0x2, v8  }
0x58: {  	[tilespmem:v22+s11+$0x0] =	vst.idx.add.f32.msk $0xffff, v11  }
0x59: {  	v11 =	vld.idx.msk [tilespmem:v19+s8+$0x0], $0xffff  }
0x5a: {  	v13 =	vld.idx.msk [tilespmem:v14+s8+$0x0], $0xffff  }
0x5b: {  	[tilespmem:v16+s11+$0x0] =	vst.idx.add.f32.msk $0xffff, v24  }
0x5c: {  	v12 =	vld.idx.msk [tilespmem:v12+s8+$0x0], $0xffff  }
0x5d: {  	v16 =	vor.u32 $0x2, v10;
	v14 =	vld.idx.msk [tilespmem:v17+s8+$0x0], $0xffff  }
0x5e: {  	v8 =	vor.u32 $0x3, v8;
	[tilespmem:v3+s11+$0x0] =	vst.idx.add.f32.msk $0xffff, v9;
	v3 =	vmov v6  }
0x5f: {  	[tilespmem:v27+s11+$0x0] =	vst.idx.add.f32.msk $0xffff, v11  }
0x60: {  	[tilespmem:v29+s11+$0x0] =	vst.idx.add.f32.msk $0xffff, v13  }
0x61: {  	v6 =	vld.idx.msk [tilespmem:v20+s8+$0x0], $0xffff  }
0x62: {  	[tilespmem:v16+s11+$0x0] =	vst.idx.add.f32.msk $0xffff, v12  }
0x63: {  	v9 =	vld.idx.msk [tilespmem:v8+s8+$0x0], $0xffff  }
0x64: {  	v10 =	vor.u32 $0x3, v10;
	[tilespmem:v23+s11+$0x0] =	vst.idx.add.f32.msk $0xffff, v14  }
0x65: {  	v11 =	vld.idx.msk [tilespmem:v15+s8+$0x0], $0xffff  }
0x66: {  	v8 =	vld.idx.msk [tilespmem:v18+s8+$0x0], $0xffff  }
.Ltmp1:
0x67: {  	[tilespmem:v28+s11+$0x0] =	vst.idx.add.f32.msk $0xffff, v6;
	(pc) =	sbr.rel @p0 .LBB2_5-.Ltmp1, $4  }
0x68: {  	v6 =	vld.idx.msk [tilespmem:v21+s8+$0x0], $0xffff  }
0x69: {  	[tilespmem:v10+s11+$0x0] =	vst.idx.add.f32.msk $0xffff, v9  }
0x6a: {  	[tilespmem:v4+s11+$0x0] =	vst.idx.add.f32.msk $0xffff, v31;
	v4 =	vmov v32  }
0x6b: {  	s18 =	sadd.s32 $0x40, s18;
	[tilespmem:v30+s11+$0x0] =	vst.idx.add.f32.msk $0xffff, v11  }
0x6c: {  	_ =	sdelay $0x3  }
0x6d: {  	[tilespmem:v7+s11+$0x0] =	vst.idx.add.f32.msk $0xffff, v8  }
0x6e: {  	v5 =	vld.idx.msk [tilespmem:v5+s8+$0x0], $0xffff  }
0x6f: {  	v1 =	vld.idx.msk [tilespmem:v1+s8+$0x0], $0xffff;
	_ =	sdelay $0x2  }
0x70: {  	[tilespmem:v2+s11+$0x0] =	vst.idx.add.f32.msk $0xffff, v6  }
0x71: {  	[tilespmem:v3+s11+$0x0] =	vst.idx.add.f32.msk $0xffff, v5  }
0x72: {  	[tilespmem:v4+s11+$0x0] =	vst.idx.add.f32.msk $0xffff, v1  }
0x73: {  	v1 =	vld [tilespmem:$0x2700];
	_ =	sdelay $0x4  }
0x74: {  	v2 =	vld [tilespmem:$0x4E80];
	v1 =	vshll.u32 v1, $0x2;
	_ =	sdelay $0x4  }
0x75: {  	v2 =	vshll.u32 v2, $0x2;
	v3 =	vld.idx.msk [tilespmem:v1+s8+$0x0], $0xffff  }
0x76: {  	v60 =	vor.u32 $0x1, v1;
	_ =	sdelay $0x3  }
0x77: {  	[tilespmem:v2+s11+$0x0] =	vst.idx.add.f32.msk $0xffff, v3  }
0x78: {  	v61 =	vor.u32 $0x1, v2;
	v3 =	vld.idx.msk [tilespmem:v60+s8+$0x0], $0xffff  }
0x79: {  	v62 =	vor.u32 $0x2, v1;
	_ =	sdelay $0x3  }
0x7a: {  	[tilespmem:v61+s11+$0x0] =	vst.idx.add.f32.msk $0xffff, v3  }
0x7b: {  	v63 =	vor.u32 $0x2, v2;
	v3 =	vld.idx.msk [tilespmem:v62+s8+$0x0], $0xffff  }
0x7c: {  	v1 =	vor.u32 $0x3, v1;
	_ =	sdelay $0x3  }
0x7d: {  	s15 =	sadd.s32 $0x1, s15;
	[tilespmem:v63+s11+$0x0] =	vst.idx.add.f32.msk $0xffff, v3  }
0x7e: {  	p0 =	sne.s32 s15, $0x20;
	v2 =	vor.u32 $0x3, v2;
	v1 =	vld.idx.msk [tilespmem:v1+s8+$0x0], $0xffff  }
.Ltmp2:
0x7f: {  	_ = 	snop;
	(pc) =	sbr.rel @p0 .LBB2_4-.Ltmp2, $2  }
0x80: {  	_ =	sdelay $0x2  }
0x81: {  	[tilespmem:v2+s11+$0x0] =	vst.idx.add.f32.msk $0xffff, v1  }
0x82: {  	s14 =	sadd.s32 $0x1, s14  }
0x83: {  	p0 =	sne.s32 s14, s7  }
.Ltmp3:
0x84: {  	_ = 	snop;
	(pc) =	sbr.rel @p0 .LBB2_1-.Ltmp3, $4  }
0x85: {  	[hbm4b:s6+s12] =	stream.strided.scatter [tilespmem:s11], [sflag:$0x1], $0xA000, s13, s12, $0x38;
	[tilespmem:$0x18F00] =	vst v63  }
0x86: {  	_ =	swait.ge [sflag:s9], $0xA000  }
0x87: {  	[sflag:s9] =	ssyncset.done $0x0  }
0x88: {  	[sflag:s9] =	ssyncadd.s32 $0xFFFF6000  }
0x89: {  	_ =	sfence.sel $0x180000  }
0x8a: {  	[bflag:$0x0] =	sbarrier.arrive $0xFFFF  }
0x8b: {  	p0 =	sne.s32 s0, $0x0;
	_ =	strace $0x9000004D  }
0x8c: {  	s0 =	sadd.s32 @!p0 $0x100000, s1;
	[bflag:$0x2] =	sbarrier.arrive $0xFFFF  }
0x8d: {  	[sflag:s0] =	ssyncadd.tile.s32 @!p0 $0x1;
	_ =	shalt  }
.Lfunc_end2:
_tile_overlayer_lowered:
.L_overlay_start_2:
0x8e: {  	(tag) =	ssettag $0x2  }
0x8f: {  	s0 =	rddreg [dreg:$0x0];
	s2 =	stileid.u32  }
0x90: {  	s1 =	rddreg [dreg:$0x1];
	p0 =	sne.s32 s2, $0x0  }
0x91: {  	s3 =	rddreg [dreg:$0x2];
	[bflag:$0x3] =	sbarrier.arrive $0xFFFF;
	s2 =	simm.s32 @!p0 $0x1C01  }
0x92: {  	[timem:s3], [sflag:s2] =	dma.local @!p0 [hbm:s0], s1  }
0x93: {  	s0 =	simm.s32 @!p0 $0x1  }
0x94: {  	_ =	swait.ge @!p0 [sflag:s0], s1  }
0x95: {  	s1 =	ssub.s32 @!p0 $0x0, s1;
	[sflag:s0] =	ssyncset.done @!p0 $0x0  }
0x96: {  	[sflag:s0] =	ssyncadd.s32 @!p0 s1  }
0x97: {  	[bflag:$0x3] =	sbarrier.arrive $0xFFFF  }
0x98: {  	_ =	shalt  }

// kernel: kernel.8.cloned.1.call-start
scs
__scs_entry_jumppad:
0x0: {  	(pc) =	sbr.rel $0x88, $3  }
0x1: {  	(tag) =	ssettag $0x0;
	lr =	simm.s32 $0x1  }
0x2: {  	[smem:$0x3F98] =	sst lr;
	_ =	strace $0xD0000000  }
0x3: {  	_ = 	snop  }
0x4: {  	_ = 	snop  }
0x5: {  	_ = 	snop  }
0x6: {  	_ = 	snop  }
0x7: {  	_ = 	snop  }
__scs_overlays_trampoline_lowered:
0x8: {  	[smem:$0x3FA7] =	sst s0  }
0x9: {  	[smem:$0x3FA8] =	sst s1  }
0xa: {  	[smem:$0x3FA9] =	sst s2  }
0xb: {  	[smem:$0x3FAA] =	sst s3  }
0xc: {  	[smem:$0x3FAB] =	sst s4  }
0xd: {  	[smem:$0x3FAC] =	sst s5  }
0xe: {  	[smem:$0x3FAD] =	sst s6  }
0xf: {  	[smem:$0x3FAE] =	sst s7  }
0x10: {  	[smem:$0x3FAF] =	sst s8  }
0x11: {  	[smem:$0x3FB0] =	sst s9;
	s0 =	simm.s32 @!p0 $0x0  }
0x12: {  	s1 =	sld [smem:$0x3F96];
	s0 =	simm.s32 @p0 $0x1  }
0x13: {  	[smem:$0x3FB1] =	sst s0;
	s0 =	simm.s32 @!p1 $0x0  }
0x14: {  	s2 =	sld [smem:$0x3F95];
	s0 =	simm.s32 @p1 $0x1  }
0x15: {  	[smem:$0x3FB2] =	sst s0;
	s0 =	simm.s32 @!p2 $0x0  }
0x16: {  	s3 =	sld [smem:$0x3FDB];
	s0 =	simm.s32 @p2 $0x1  }
0x17: {  	s4 =	simm.s32 $0x1BF5;
	[smem:$0x3FB4] =	sst s0  }
0x18: {  	s0 =	sld [smem:$0x3F97];
	_ =	swait.ge [sflag:s4], $0x0  }
0x19: {  	s7 =	sld [smem:$0x3F98]  }
0x1a: {  	s8 =	sadd.s32 $0xFFFFE003, lr  }
0x1b: {  	s9 =	sadd.s32 $0xFFFFFEF7, lr;
	s5 =	simm.s32 $0xFFFFFFFF;
	p2 =	slt.u32 s8, $0xFFFFF086  }
0x1c: {  	p1 =	slt.u32 s9, $0xF7A;
	s5 =	simm.s32 @!p2 $0x0  }
0x1d: {  	s5 =	simm.s32 @p1 $0x1;
	p0 =	seq.s32 s7, s2  }
0x1e: {  	s7 =	smul.u32 @!p0 $0xF7A, s2;
	p2 =	seq.s32 @!p0 s5, $0x0  }
0x1f: {  	s9 =	smul.u32 $0xF7A, s1;
	s8 =	simm.s32 @!p0 $0x1BF5;
	p2 =	por !p2, p0  }
0x20: {  	[sflag:s8] =	ssyncset.s32 @!p0 $0xFFFFF086;
	s6 =	sadd.s32 @!p0 s3, s7;
	s7 =	simm.s32 @!p0 $0x108  }
0x21: {  	s3 =	sadd.s32 s3, s9;
	s6 =	sadd.s32 @!p0 $0x88, s6;
	s7 =	simm.s32 @p2 $0x1082  }
0x22: {  	[simem:s7], [sflag:s8] =	dma.local @!p0 [hbm:s6], $0xF7A  }
0x23: {  	s9 =	sor.u32 $0xD0000000, s2;
	s6 =	simm.s32 $0x108;
	_ =	swait.ge @!p0 [sflag:s8], $0x0  }
0x24: {  	s3 =	sadd.s32 $0x88, s3;
	s6 =	simm.s32 @!p1 $0x1082;
	[sflag:s4] =	ssyncset.s32 $0xFFFFF086  }
0x25: {  	[simem:s6], [sflag:s4] =	dma.local [hbm:s3], $0xF7A  }
0x26: {  	[smem:$0x3F98] =	sst s1;
	(tag) =	ssettag s2;
	_ =	strace s9  }
0x27: {  	s1 =	sld [smem:$0x3FA8]  }
0x28: {  	s2 =	sld [smem:$0x3FA9]  }
0x29: {  	s4 =	sld [smem:$0x3FAB]  }
0x2a: {  	p0 =	seq.s32 s5, $0x0;
	s5 =	sld [smem:$0x3FAC]  }
0x2b: {  	s6 =	sld [smem:$0x3FAD]  }
0x2c: {  	s7 =	sld [smem:$0x3FAE]  }
0x2d: {  	s3 =	simm.s32 $0x108;
	s8 =	sld [smem:$0x3FAF]  }
0x2e: {  	s3 =	simm.s32 @!p0 $0x1082;
	s9 =	sld [smem:$0x3FB0]  }
0x2f: {  	lr =	sadd.s32 s0, s3;
	s0 =	sld [smem:$0x3FA7]  }
0x30: {  	s3 =	sld [smem:$0x3FAA]  }
0x31: {  	[smem:$0x3FB3] =	sst s10  }
0x32: {  	s10 =	sld [smem:$0x3FB1];
	_ =	sdelay $0x3  }
0x33: {  	p0 =	seq.s32 s10, $0x1;
	s10 =	sld [smem:$0x3FB3];
	_ =	sdelay $0x3  }
0x34: {  	[smem:$0x3FB3] =	sst s10  }
0x35: {  	s10 =	sld [smem:$0x3FB2];
	_ =	sdelay $0x3  }
0x36: {  	p1 =	seq.s32 s10, $0x1;
	s10 =	sld [smem:$0x3FB3];
	_ =	sdelay $0x3  }
0x37: {  	[smem:$0x3FB3] =	sst s10  }
0x38: {  	s10 =	sld [smem:$0x3FB4]  }
0x39: {  	_ = 	snop;
	(pc) =	sbr.ind lr, $3  }
0x3a: {  	_ = 	snop  }
0x3b: {  	_ = 	snop  }
0x3c: {  	p2 =	seq.s32 s10, $0x1;
	s10 =	sld [smem:$0x3FB3]  }
0x3d: {  	_ =	shalt  }
0x3e: {  	_ =	shalt  }
0x3f: {  	_ =	shalt  }
0x40: {  	_ =	shalt  }
0x41: {  	_ =	shalt  }
0x42: {  	_ =	shalt  }
0x43: {  	_ =	shalt  }
0x44: {  	_ =	shalt  }
0x45: {  	_ =	shalt  }
0x46: {  	_ =	shalt  }
0x47: {  	_ =	shalt  }
0x48: {  	_ =	shalt  }
0x49: {  	_ =	shalt  }
0x4a: {  	_ =	shalt  }
0x4b: {  	_ =	shalt  }
0x4c: {  	_ =	shalt  }
0x4d: {  	_ =	shalt  }
0x4e: {  	_ =	shalt  }
0x4f: {  	_ =	shalt  }
0x50: {  	_ =	shalt  }
0x51: {  	_ =	shalt  }
0x52: {  	_ =	shalt  }
0x53: {  	_ =	shalt  }
0x54: {  	_ =	shalt  }
0x55: {  	_ =	shalt  }
0x56: {  	_ =	shalt  }
0x57: {  	_ =	shalt  }
0x58: {  	_ =	shalt  }
0x59: {  	_ =	shalt  }
0x5a: {  	_ =	shalt  }
0x5b: {  	_ =	shalt  }
0x5c: {  	_ =	shalt  }
0x5d: {  	_ =	shalt  }
0x5e: {  	_ =	shalt  }
0x5f: {  	_ =	shalt  }
0x60: {  	_ =	shalt  }
0x61: {  	_ =	shalt  }
0x62: {  	_ =	shalt  }
0x63: {  	_ =	shalt  }
0x64: {  	_ =	shalt  }
0x65: {  	_ =	shalt  }
0x66: {  	_ =	shalt  }
0x67: {  	_ =	shalt  }
0x68: {  	_ =	shalt  }
0x69: {  	_ =	shalt  }
0x6a: {  	_ =	shalt  }
0x6b: {  	_ =	shalt  }
0x6c: {  	_ =	shalt  }
0x6d: {  	_ =	shalt  }
0x6e: {  	_ =	shalt  }
0x6f: {  	_ =	shalt  }
0x70: {  	_ =	shalt  }
0x71: {  	_ =	shalt  }
0x72: {  	_ =	shalt  }
0x73: {  	_ =	shalt  }
0x74: {  	_ =	shalt  }
0x75: {  	_ =	shalt  }
0x76: {  	_ =	shalt  }
0x77: {  	_ =	shalt  }
0x78: {  	_ =	shalt  }
0x79: {  	_ =	shalt  }
0x7a: {  	_ =	shalt  }
0x7b: {  	_ =	shalt  }
0x7c: {  	_ =	shalt  }
0x7d: {  	_ =	shalt  }
0x7e: {  	_ =	shalt  }
0x7f: {  	_ =	shalt  }
0x80: {  	_ =	shalt  }
0x81: {  	_ =	shalt  }
0x82: {  	_ =	shalt  }
0x83: {  	_ =	shalt  }
0x84: {  	_ =	shalt  }
0x85: {  	_ =	shalt  }
0x86: {  	_ =	shalt  }
0x87: {  	_ =	shalt  }
.Lfunc_end0:
.L_simem_size_0:
called_computation_lowered:
.L_overlay_start_0:
0x88: {  	s2 =	sld [smem:$0x3FD9]  }
0x89: {  	s3 =	sld [smem:$0x3FFE];
	_ =	sdelay $0x1  }
0x8a: {  	s1 =	srdreg.scid  }
0x8b: {  	s0 =	sand.u32 $0x1, s1  }
0x8c: {  	s16 =	sshll.u32 s0, $0xA;
	s2 =	sadd.s32 s3, s2  }
0x8d: {  	s2 =	sadd.s32 s2, s16  }
0x8e: {  	[smem:$0x3FBF] =	sst s2  }
0x8f: {  	_ = 	snop  }
0x90: {  	(tm) =	ssettm $0x1  }
0x91: {  	s17 =	sld [smem:$0x3FFB];
	_ =	sdelay $0x3  }
0x92: {  	_ =	strace s17  }
0x93: {  	s2 =	sld [smem:$0x3FFC];
	_ =	sdelay $0x3  }
0x94: {  	_ =	strace s2  }
0x95: {  	s2 =	sld [smem:$0x3FFD];
	_ =	sdelay $0x3  }
0x96: {  	_ =	strace s2  }
0x97: {  	_ =	strace $0x8FFFFFFF  }
0x98: {  	s18 =	sld [smem:$0x3FDB];
	_ =	sdelay $0x1  }
0x99: {  	s19 =	simm.s32 $_scs_section_size  }
0x9a: {  	s4 =	simm.s32 $_size__tile_overlayer_lowered;
	s5 =	simm.s32 $_tile_overlayer_lowered  }
0x9b: {  	s22 =	simm.s32 $0x1BFF;
	s21 =	sshll.u32 s5, $0x1;
	s2 =	sadd.s32 s19, s18  }
0x9c: {  	s6 =	simm.s32 $0x0;
	s20 =	sshll.u32 s4, $0x1;
	s4 =	sadd.s32 s21, s2  }
0x9d: {  	[timem:s6], [sflag:s22] =	dma.local [hbm:s4], s20  }
0x9e: {  	_ =	swait.ge [sflag:s22], s20  }
0x9f: {  	s3 =	ssub.s32 $0x0, s20;
	[sflag:s22] =	ssyncset.done $0x0  }
0xa0: {  	[sflag:s22] =	ssyncadd.s32 s3;
	_ =	sdelay $0x1  }
0xa1: {  	s23 =	simm.s32 $0x1B8B  }
0xa2: {  	_ =	swait.ge [sflag:s23], $0x1  }
0xa3: {  	[sflag:s23] =	ssyncset.done $0x0  }
0xa4: {  	s25 =	simm.s32 $0x1B8E;
	s24 =	sld [smem:$0x3FFE];
	[sflag:s23] =	ssyncadd.s32 $0xFFFFFFFF  }
0xa5: {  	s26 =	simm.s32 $execute0_lowered;
	[smem:$0x3FD2] =	sst s25  }
0xa6: {  	s4 =	sshll.u32 s26, $0x1;
	_ =	strace $0x80000046;
	[dreg:$0x1] =	wrdreg $0xFFFFFFFF  }
0xa7: {  	s28 =	simm.s32 $_size_execute0_lowered;
	s2 =	sadd.s32 s2, s4;
	[dreg:$0x0] =	wrdreg $0x0  }
0xa8: {  	s4 =	sshll.u32 s28, $0x1;
	[dreg:$0x2] =	wrdreg s2  }
0xa9: {  	[dreg:$0x3] =	wrdreg s4  }
0xaa: {  	[dreg:$0x4] =	wrdreg $0xC0  }
0xab: {  	_ =	task [dreg:s6], $0x5FFFF  }
0xac: {  	[dreg:$0x1] =	wrdreg $0xFFFFFFFF  }
0xad: {  	[dreg:$0x0] =	wrdreg $0x60  }
0xae: {  	[dreg:$0x2] =	wrdreg s24  }
0xaf: {  	[dreg:$0x3] =	wrdreg $0x9  }
0xb0: {  	_ =	task.clear_ibuf [dreg:s6], $0x4FFFF;
	_ =	strace $0x90000046  }
0xb1: {  	s29 =	simm.s32 $0x9;
	_ =	strace $0x80000048  }
0xb2: {  	_ =	swait.ge [sflag:s29], $0x1  }
0xb3: {  	[sflag:s29] =	ssyncadd.s32 $0xFFFFFFFF  }
0xb4: {  	_ =	strace $0x90000048  }
0xb5: {  	_ =	sfence  }
0xb6: {  	s30 =	sld [smem:$0x0];
	_ =	sdelay $0x2  }
0xb7: {  	s31 =	sshll.u32 s1, $0xD;
	s1 =	sshrl.u32 s1, $0x2  }
0xb8: {  	s3 =	sand.u32 $0x4000, s31;
	s1 =	sadd.s32 s1, s30  }
0xb9: {  	s0 =	sor.u32 s3, s0;
	s1 =	sshll.u32 s1, $0x11  }
0xba: {  	s0 =	sor.u32 s1, s0  }
0xbb: {  	s0 =	sadd.s32 $0x8F2B, s0  }
0xbc: {  	[sflag:s0] =	ssyncadd.remote.s32 $0x1  }
0xbd: {  	_ =	sfence.sel $0xFFFF  }
0xbe: {  	[dreg:$0x0] =	wrdreg $0xFFFFFFFF;
	(pc) =	sbr.abs _section_cstart, $3  }
0xbf: {  	[dreg:$0x1] =	wrdreg $0xFFFFFFFF  }
0xc0: {  	_ =	task.clear_ibuf [dreg:s6], $0x2FFFF;
	_ =	strace $0x9FFFFFFF  }
0xc1: {  	(tm) =	ssettm $0x7FFFFFFF  }
tec
execute0_lowered:
.L_overlay_start_1:
0x0: {  	(tag) =	ssettag $0x1  }
0x1: {  	s1 =	srdreg.scid  }
0x2: {  	s0 =	stileid.u32;
	s5 =	rddreg [dreg:$0x0]  }
0x3: {  	s2 =	simm.s32 $0x0;
	s8 =	simm.s32 $0x80;
	s9 =	simm.s32 $0x400  }
0x4: {  	s10 =	simm.s32 $0x0;
	s3 =	sand.u32 $0x1, s1;
	s29 =	sshll.u32 s0, $0x1  }
0x5: {  	s30 =	sshrl.u32 s0, $0x2;
	s1 =	rddreg [dreg:$0x1];
	s4 =	sor.u32 s3, s29  }
0x6: {  	[smem:$0x7FF] =	sst s2;
	s6 =	smul.u32 $0x14000, s30;
	s7 =	sshll.u32 s4, $0x7  }
0x7: {  	s3 =	ssub.s32 $0x2, s3;
	s4 =	smul.u32 $0x4E2, s4;
	s7 =	sand.u32 $0x380, s7  }
0x8: {  	_ =	strace $0x80000047;
	s31 =	sshrl.u32 s3, $0x1;
	s6 =	sor.u32 s6, s7  }
0x9: {  	s4 =	sadd.s32 s4, s5;
	s7 =	simm.s32 $0x2780;
	s6 =	sshrl.u32 s6, $0x3  }
0xa: {  	s5 =	sadd.s32 s6, s5;
	s6 =	ssub.s32 s3, s31;
	s3 =	sadd.s32 $0xC600, s4  }
0xb: {  	v0 =	vimm.f32 $0.0e+00;
	v1 =	vimm.f32 $1.000000000e+00;
	s4 =	sadd.s32 $0x16400, s5;
	s5 =	smax.u32 s6, $0x1;
	s6 =	simm.s32 $0x1  }
.LBB2_1:
0xc: {  	s11 =	simm.s32 $0x40;
	s12 =	simm.s32 $0x0  }
.LBB2_2:
0xd: {  	p0 =	sne.s32 s11, $0x9FC0;
	[tilespmem:s12+$0x2780] =	vst v0;
	s12 =	smov.u32 s11;
	s11 =	sadd.s32 $0x40, s11  }
.Ltmp0:
0xe: {  	(pc) =	sbr.rel @p0 .LBB2_2-.Ltmp0, $2  }
0xf: {  	_ =	sdelay $0x2  }
0x10: {  	s12 =	sshra.s32 s12, $0x2  }
0x11: {  	[tilespmem:s12+$0x2780] =	vst v0  }
0x12: {  	[tilespmem:s2], [sflag:$0x1] =	stream.linear.gather [hbm4b:s3+s2], $0x2710, $0x38;
	[tilespmem:$0x4F80] =	vst v63  }
0x13: {  	_ =	swait.ge [sflag:s6], $0x2710  }
0x14: {  	[sflag:s6] =	ssyncset.done $0x0  }
0x15: {  	s11 =	simm.s32 $0x20;
	[sflag:s6] =	ssyncadd.s32 $0xFFFFD8F0  }
0x16: {  	v5 =	vld [tilespmem:s11+$0x10];
	_ =	sdelay $0x4  }
0x17: {  	v4 =	vld [tilespmem:s11+$0xFFFFFFE0]  }
0x18: {  	v2 =	vld [tilespmem:s11+$0xFFFFFFF0]  }
0x19: {  	v3 =	vld [tilespmem:s11+$0x0]  }
0x1a: {  	s12 =	simm.s32 $0x60;
	s11 =	simm.s32 $0x0;
	[tilespmem:v5+s7+$0x0] =	vst.idx.add.f32.msk $0xffff, v1  }
.LBB2_4:
0x1b: {  	v5 =	vld [tilespmem:s12+$0x10];
	s11 =	sadd.s32 $0x4, s11  }
0x1c: {  	v6 =	vld [tilespmem:s12+$0xFFFFFFF0];
	p0 =	slt.u32 s11, $0x26C  }
0x1d: {  	v7 =	vld [tilespmem:s12+$0x0]  }
0x1e: {  	v8 =	vld [tilespmem:s12+$0xFFFFFFE0]  }
.Ltmp1:
0x1f: {  	[tilespmem:v4+s7+$0x0] =	vst.idx.add.f32.msk $0xffff, v1;
	(pc) =	sbr.rel @p0 .LBB2_4-.Ltmp1, $4  }
0x20: {  	[tilespmem:v2+s7+$0x0] =	vst.idx.add.f32.msk $0xffff, v1  }
0x21: {  	[tilespmem:v3+s7+$0x0] =	vst.idx.add.f32.msk $0xffff, v1;
	v2 =	vmov v6  }
0x22: {  	v3 =	vmov v7  }
0x23: {  	s12 =	sadd.s32 $0x40, s12;
	[tilespmem:v5+s7+$0x0] =	vst.idx.add.f32.msk $0xffff, v1;
	v4 =	vmov v8  }
0x24: {  	_ =	sdelay $0x3  }
0x25: {  	[tilespmem:v4+s7+$0x0] =	vst.idx.add.f32.msk $0xffff, v1  }
0x26: {  	[tilespmem:v2+s7+$0x0] =	vst.idx.add.f32.msk $0xffff, v1  }
0x27: {  	[tilespmem:v3+s7+$0x0] =	vst.idx.add.f32.msk $0xffff, v1  }
0x28: {  	v2 =	vld [tilespmem:$0x2700];
	_ =	sdelay $0x5  }
0x29: {  	s10 =	sadd.s32 $0x1, s10  }
0x2a: {  	p0 =	sne.s32 s10, s5  }
.Ltmp2:
0x2b: {  	[tilespmem:v2+s7+$0x0] =	vst.idx.add.f32.msk $0xffff, v1;
	(pc) =	sbr.rel @p0 .LBB2_1-.Ltmp2, $4  }
0x2c: {  	[hbm4b:s4+s8] =	stream.strided.scatter [tilespmem:s7], [sflag:$0x1], $0x2800, s9, s8, $0x38;
	[tilespmem:$0x4F80] =	vst v63  }
0x2d: {  	_ =	swait.ge [sflag:s6], $0x2800  }
0x2e: {  	[sflag:s6] =	ssyncset.done $0x0  }
0x2f: {  	[sflag:s6] =	ssyncadd.s32 $0xFFFFD800  }
0x30: {  	_ =	sfence.sel $0x180000  }
0x31: {  	[bflag:$0x0] =	sbarrier.arrive $0xFFFF  }
0x32: {  	p0 =	sne.s32 s0, $0x0;
	_ =	strace $0x90000047  }
0x33: {  	s0 =	sadd.s32 @!p0 $0x100000, s1;
	[bflag:$0x2] =	sbarrier.arrive $0xFFFF  }
0x34: {  	[sflag:s0] =	ssyncadd.tile.s32 @!p0 $0x1;
	_ =	shalt  }
.Lfunc_end2:
_tile_overlayer_lowered:
.L_overlay_start_2:
0x35: {  	(tag) =	ssettag $0x2  }
0x36: {  	s0 =	rddreg [dreg:$0x0];
	s2 =	stileid.u32  }
0x37: {  	s1 =	rddreg [dreg:$0x1];
	p0 =	sne.s32 s2, $0x0  }
0x38: {  	s3 =	rddreg [dreg:$0x2];
	[bflag:$0x3] =	sbarrier.arrive $0xFFFF;
	s2 =	simm.s32 @!p0 $0x1C01  }
0x39: {  	[timem:s3], [sflag:s2] =	dma.local @!p0 [hbm:s0], s1  }
0x3a: {  	s0 =	simm.s32 @!p0 $0x1  }
0x3b: {  	_ =	swait.ge @!p0 [sflag:s0], s1  }
0x3c: {  	s1 =	ssub.s32 @!p0 $0x0, s1;
	[sflag:s0] =	ssyncset.done @!p0 $0x0  }
0x3d: {  	[sflag:s0] =	ssyncadd.s32 @!p0 s1  }
0x3e: {  	[bflag:$0x3] =	sbarrier.arrive $0xFFFF  }
0x3f: {  	_ =	shalt  }

</sc_bundles>
